<compile_context>
chip_gen: v7x
topology: tpu7x:2x2x1
jax: 0.10.2.dev20260603
libtpu: 0.0.44.dev20260713+nightly
codegen_flags: <defaults>
</compile_context>

<pallas_src>
import dataclasses
import functools

import jax
import jax.numpy as jnp
from jax import lax
from jax.experimental import pallas as pl
from jax.experimental.pallas import tpu as pltpu
from jax.experimental.pallas import tpu_sc as plsc

N, D, H, E = 16384, 4096, 128, 64
TOPK = 8
TILE_N = 512
NCHUNK = 2
CHUNK = N // NCHUNK
NWORK = 32
RW = CHUNK // NWORK


def _gemm_body(t_ref, x_ref, w1_ref, b1_ref, w2_ref, b2_ref, logits_ref):
    t = jnp.clip(t_ref[0], 0.5, 2.0)
    h = jnp.dot(x_ref[...], w1_ref[...], preferred_element_type=jnp.float32)
    h = jax.nn.relu(h + b1_ref[...])
    logits = jnp.dot(h, w2_ref[...], preferred_element_type=jnp.float32)
    logits_ref[...] = (logits + b2_ref[...]) / t


def _tc_logits(temperature, x, W1, b1, W2, b2, chunk):
    return pl.pallas_call(
        _gemm_body,
        grid=(CHUNK // TILE_N,),
        in_specs=[
            pl.BlockSpec(memory_space=pltpu.SMEM),
            pl.BlockSpec((TILE_N, D),
                         lambda i, c=chunk: (c * (CHUNK // TILE_N) + i, 0)),
            pl.BlockSpec((D, H), lambda i: (0, 0)),
            pl.BlockSpec((1, H), lambda i: (0, 0)),
            pl.BlockSpec((H, E), lambda i: (0, 0)),
            pl.BlockSpec((1, E), lambda i: (0, 0)),
        ],
        out_specs=pl.BlockSpec((TILE_N, E), lambda i: (i, 0)),
        out_shape=jax.ShapeDtypeStruct((CHUNK, E), jnp.float32),
    )(temperature, x, W1, b1.reshape(1, H), W2, b2.reshape(1, E))


def _sc_route_body(logits_hbm, gates_hbm, idx_hbm, logits_v, gates_v, idx_v):
    wid = lax.axis_index("s") * 2 + lax.axis_index("c")
    base = wid * RW
    pltpu.sync_copy(logits_hbm.at[pl.ds(base, RW)], logits_v)

    iota16 = lax.broadcasted_iota(jnp.int32, (16,), 0)
    lane_lt8 = iota16 < 8
    zeros16 = jnp.zeros((16,), jnp.float32)

    def merge(av, ai, bv, bi):
        cv = jnp.where(lane_lt8, av, lax.rev(bv, (0,)))
        ci = jnp.where(lane_lt8, ai, lax.rev(bi, (0,)))
        return plsc.sort_key_val(cv, ci, descending=True)

    @plsc.parallel_loop(0, RW, unroll=4)
    def _(r):
        sv = []
        si = []
        for j in range(4):
            v = logits_v[r, pl.ds(16 * j, 16)]
            skv, ski = plsc.sort_key_val(v, iota16 + 16 * j, descending=True)
            sv.append(skv)
            si.append(ski)
        m0v, m0i = merge(sv[0], si[0], sv[1], si[1])
        m1v, m1i = merge(sv[2], si[2], sv[3], si[3])
        tv, ti = merge(m0v, m0i, m1v, m1i)

        mx = jnp.max(tv)
        e8 = jnp.where(lane_lt8, jnp.exp(tv - mx), 0.0)
        g = e8 / jnp.sum(e8)

        for j in range(4):
            gates_v[r, pl.ds(16 * j, 16)] = zeros16
        row = jnp.full((16,), r, jnp.int32)
        plsc.store_scatter(gates_v, [row, ti], g, mask=lane_lt8)
        idx_v[r, :] = ti

    pltpu.sync_copy(gates_v, gates_hbm.at[pl.ds(base, RW)])
    pltpu.sync_copy(idx_v, idx_hbm.at[pl.ds(base, RW)])


def _sc_route(logits):
    mesh = plsc.VectorSubcoreMesh(core_axis_name="c", subcore_axis_name="s")
    out_type = (
        jax.ShapeDtypeStruct((CHUNK, E), jnp.float32),
        jax.ShapeDtypeStruct((CHUNK, 16), jnp.int32),
    )
    scratch = [
        pltpu.VMEM((RW, E), jnp.float32),
        pltpu.VMEM((RW, E), jnp.float32),
        pltpu.VMEM((RW, 16), jnp.int32),
    ]
    cp = pltpu.CompilerParams()
    if "needs_layout_passes" in pltpu.CompilerParams.__dataclass_fields__:
        cp = dataclasses.replace(cp, needs_layout_passes=False)
    return pl.kernel(_sc_route_body, mesh=mesh, out_type=out_type,
                     scratch_types=scratch, compiler_params=cp)(logits)


@jax.jit
def kernel(x, W1, b1, W2, b2, temperature):
    logits_c = [None] * NCHUNK
    gates_c = [None] * NCHUNK
    idx_c = [None] * NCHUNK
    logits_c[0] = _tc_logits(temperature, x, W1, b1, W2, b2, 0)
    for c in range(NCHUNK):
        gates_c[c], idx_c[c] = _sc_route(logits_c[c])
        if c + 1 < NCHUNK:
            logits_c[c + 1] = _tc_logits(temperature, x, W1, b1, W2, b2, c + 1)
    logits = jnp.concatenate(logits_c, axis=0)
    gates = jnp.concatenate(gates_c, axis=0)
    idx = jnp.concatenate(idx_c, axis=0)[:, :TOPK]
    return (gates, idx, logits)

# --- scband reference (transcript-rebuilt; emitter-appended) ---
"""Pipeline reference for scband-balanced-gate-89687507075559 (READ-ONLY COPY).

The authoritative reference and input builder live on the scoring server;
editing this copy changes nothing except your own understanding.
"""

import jax, jax.numpy as jnp
import numpy as np

TOP_K = 8

def setup_inputs(seed: int = 0) -> dict:
    key = jax.random.key(seed)
    ks = jax.random.split(key, 4)
    N, D, H, E = 16384, 4096, 128, 64
    x = jax.random.normal(ks[0], (N, D), dtype=jnp.float32)
    W1 = jax.random.normal(ks[1], (D, H), dtype=jnp.float32) * (1.0 / np.sqrt(D))
    b1 = jnp.zeros((H,), dtype=jnp.float32)
    W2 = jax.random.normal(ks[2], (H, E), dtype=jnp.float32) * (1.0 / np.sqrt(H))
    b2 = jnp.zeros((E,), dtype=jnp.float32)
    temperature = jnp.ones((1,), dtype=jnp.float32)
    return {"x": x, "W1": W1, "b1": b1, "W2": W2, "b2": b2, "temperature": temperature}

def reference(x, W1, b1, W2, b2, temperature):
    # gate_net: Linear(D,128) -> ReLU -> (Dropout inactive in eval) -> Linear(128,E)
    h = jax.nn.relu(x @ W1 + b1)
    gate_logits = h @ W2 + b2
    t = jnp.clip(temperature, 0.5, 2.0)
    gate_logits = gate_logits / t
    # eval mode: no gating noise
    top_k_logits, top_k_indices = jax.lax.top_k(gate_logits, TOP_K)
    top_k_gates = jax.nn.softmax(top_k_logits, axis=-1)
    rows = jnp.arange(gate_logits.shape[0])[:, None]
    gates = jnp.zeros_like(gate_logits).at[rows, top_k_indices].set(top_k_gates)
    return (gates, top_k_indices, gate_logits)

if __name__ == "__main__":
    import jax
    _d = setup_inputs()
    print(jax.jit(kernel)(*tuple(_d.values())))

</pallas_src>

<mosaic_0001>
#map = affine_map<(d0, d1) -> (0, 0)>
module attributes {stable_mosaic.version = 14 : i64} {
  func.func @_sc_route_body(%arg0: i32, %arg1: i32, %arg2: memref<8192x64xf32, #tpu.memory_space<hbm>>, %arg3: memref<8192x64xf32, #tpu.memory_space<hbm>>, %arg4: memref<8192x16xi32, #tpu.memory_space<hbm>>, %arg5: memref<256x64xf32, #tpu.memory_space<vmem>>, %arg6: memref<256x64xf32, #tpu.memory_space<vmem>>, %arg7: memref<256x16xi32, #tpu.memory_space<vmem>>) attributes {dimension_semantics = [#tpu.dimension_semantics<core_parallel>, #tpu.dimension_semantics<subcore_parallel>], iteration_bounds = array<i64: 2, 16>, scalar_prefetch = 0 : i64, scratch_operands = 3 : i64, tpu.core_type = #tpu.core_type<sc_vector_subcore>, window_params = [{transform_indices = #map}, {transform_indices = #map}, {transform_indices = #map}]} {
    %mul3A = arith.constant 2 : i32
    %mul3A_0 = arith.muli %arg1, %mul3A : i32
    %add3A = arith.addi %mul3A_0, %arg0 : i32
    %mul3A_1 = arith.constant 256 : i32
    %mul3A_2 = arith.muli %add3A, %mul3A_1 : i32
    "tpu.region"() ({
      %run_scoped3A = tpu.sem_alloc : memref<!tpu.dma_semaphore, #tpu.memory_space<semaphore_mem>>
      %dma_start3A = arith.constant 0 : i32
      %dma_start3A_8 = tpu.memref_slice %arg2[%mul3A_2, %dma_start3A] : memref<8192x64xf32, #tpu.memory_space<hbm>> -> memref<256x64xf32, #tpu.memory_space<hbm>>
      %dma_start3A_9 = arith.constant 0 : i32
      %dma_start3A_10 = tpu.memref_slice %arg2[%mul3A_2, %dma_start3A_9] : memref<8192x64xf32, #tpu.memory_space<hbm>> -> memref<256x64xf32, #tpu.memory_space<hbm>>
      tpu.enqueue_dma source(%dma_start3A_10 : memref<256x64xf32, #tpu.memory_space<hbm>>) target(%arg5 : memref<256x64xf32, #tpu.memory_space<vmem>>) target_semaphore(%run_scoped3A : memref<!tpu.dma_semaphore, #tpu.memory_space<semaphore_mem>>)
      %dma_wait3A = arith.constant 0 : i32
      %dma_wait3A_11 = tpu.memref_slice %arg2[%mul3A_2, %dma_wait3A] : memref<8192x64xf32, #tpu.memory_space<hbm>> -> memref<256x64xf32, #tpu.memory_space<hbm>>
      %dma_wait3A_12 = arith.constant 0 : i32
      %dma_wait3A_13 = tpu.memref_slice %arg2[%mul3A_2, %dma_wait3A_12] : memref<8192x64xf32, #tpu.memory_space<hbm>> -> memref<256x64xf32, #tpu.memory_space<hbm>>
      tpu.wait_dma2 semaphore(%run_scoped3A : memref<!tpu.dma_semaphore, #tpu.memory_space<semaphore_mem>>) src(%dma_wait3A_13 : memref<256x64xf32, #tpu.memory_space<hbm>>) dst(%arg5 : memref<256x64xf32, #tpu.memory_space<vmem>>)
      tpu.yield
    }) : () -> ()
    %iota3A = tpu.iota {dimensions = array<i32: 0>} : vector<16xi32>
    %lt3A = arith.constant 8 : i32
    %lt3A_3 = vector.broadcast %lt3A : i32 to vector<16xi32>
    %lt3A_4 = arith.cmpi slt, %iota3A, %lt3A_3 : vector<16xi32>
    %broadcast_in_dim3A = arith.constant 0.000000e+00 : f32
    %broadcast_in_dim3A_5 = vector.broadcast %broadcast_in_dim3A : f32 to vector<16xf32>
    %parallel_loop3A = arith.constant 0 : i32
    %parallel_loop3A_6 = arith.constant 256 : i32
    %parallel_loop3A_7 = arith.constant 1 : i32
    scf.for %parallel_loop3A_8 = %parallel_loop3A to %parallel_loop3A_6 step %parallel_loop3A_7  : i32 {
      %parallel_loop3A_9 = arith.index_cast %parallel_loop3A_8 : i32 to index
      %parallel_loop3A_10 = arith.constant 0 : index
      %parallel_loop3A_11 = tpu.vector_load %arg5[%parallel_loop3A_9, %parallel_loop3A_10] {strides = array<i32>} : memref<256x64xf32, #tpu.memory_space<vmem>>, vector<16xf32>,
      %parallel_loop3A_12 = arith.constant 0 : i32
      %parallel_loop3A_13 = vector.broadcast %parallel_loop3A_12 : i32 to vector<16xi32>
      %parallel_loop3A_14 = arith.addi %iota3A, %parallel_loop3A_13 : vector<16xi32>
      %parallel_loop3A_15 = arith.constant dense<true> : vector<16xi1>
      %parallel_loop3A_16, %parallel_loop3A_17, %parallel_loop3A_18 = tpu.sort %parallel_loop3A_11, %parallel_loop3A_14 masked %parallel_loop3A_15 {descending = true} : (vector<16xf32>, vector<16xi32>, vector<16xi1>) -> (vector<16xi1>, vector<16xf32>, vector<16xi32>)
      %parallel_loop3A_19 = arith.index_cast %parallel_loop3A_8 : i32 to index
      %parallel_loop3A_20 = arith.constant 16 : index
      %parallel_loop3A_21 = tpu.vector_load %arg5[%parallel_loop3A_19, %parallel_loop3A_20] {strides = array<i32>} : memref<256x64xf32, #tpu.memory_space<vmem>>, vector<16xf32>,
      %parallel_loop3A_22 = arith.constant 16 : i32
      %parallel_loop3A_23 = vector.broadcast %parallel_loop3A_22 : i32 to vector<16xi32>
      %parallel_loop3A_24 = arith.addi %iota3A, %parallel_loop3A_23 : vector<16xi32>
      %parallel_loop3A_25 = arith.constant dense<true> : vector<16xi1>
      %parallel_loop3A_26, %parallel_loop3A_27, %parallel_loop3A_28 = tpu.sort %parallel_loop3A_21, %parallel_loop3A_24 masked %parallel_loop3A_25 {descending = true} : (vector<16xf32>, vector<16xi32>, vector<16xi1>) -> (vector<16xi1>, vector<16xf32>, vector<16xi32>)
      %parallel_loop3A_29 = arith.index_cast %parallel_loop3A_8 : i32 to index
      %parallel_loop3A_30 = arith.constant 32 : index
      %parallel_loop3A_31 = tpu.vector_load %arg5[%parallel_loop3A_29, %parallel_loop3A_30] {strides = array<i32>} : memref<256x64xf32, #tpu.memory_space<vmem>>, vector<16xf32>,
      %parallel_loop3A_32 = arith.constant 32 : i32
      %parallel_loop3A_33 = vector.broadcast %parallel_loop3A_32 : i32 to vector<16xi32>
      %parallel_loop3A_34 = arith.addi %iota3A, %parallel_loop3A_33 : vector<16xi32>
      %parallel_loop3A_35 = arith.constant dense<true> : vector<16xi1>
      %parallel_loop3A_36, %parallel_loop3A_37, %parallel_loop3A_38 = tpu.sort %parallel_loop3A_31, %parallel_loop3A_34 masked %parallel_loop3A_35 {descending = true} : (vector<16xf32>, vector<16xi32>, vector<16xi1>) -> (vector<16xi1>, vector<16xf32>, vector<16xi32>)
      %parallel_loop3A_39 = arith.index_cast %parallel_loop3A_8 : i32 to index
      %parallel_loop3A_40 = arith.constant 48 : index
      %parallel_loop3A_41 = tpu.vector_load %arg5[%parallel_loop3A_39, %parallel_loop3A_40] {strides = array<i32>} : memref<256x64xf32, #tpu.memory_space<vmem>>, vector<16xf32>,
      %parallel_loop3A_42 = arith.constant 48 : i32
      %parallel_loop3A_43 = vector.broadcast %parallel_loop3A_42 : i32 to vector<16xi32>
      %parallel_loop3A_44 = arith.addi %iota3A, %parallel_loop3A_43 : vector<16xi32>
      %parallel_loop3A_45 = arith.constant dense<true> : vector<16xi1>
      %parallel_loop3A_46, %parallel_loop3A_47, %parallel_loop3A_48 = tpu.sort %parallel_loop3A_41, %parallel_loop3A_44 masked %parallel_loop3A_45 {descending = true} : (vector<16xf32>, vector<16xi32>, vector<16xi1>) -> (vector<16xi1>, vector<16xf32>, vector<16xi32>)
      %parallel_loop3A_49 = arith.constant 15 : i32
      %parallel_loop3A_50 = vector.broadcast %parallel_loop3A_49 : i32 to vector<16xi32>
      %parallel_loop3A_51 = tpu.iota {dimensions = array<i32: 0>} : vector<16xi32>
      %parallel_loop3A_52 = arith.subi %parallel_loop3A_50, %parallel_loop3A_51 : vector<16xi32>
      %parallel_loop3A_53 = tpu.dynamic_gather %parallel_loop3A_27[%parallel_loop3A_52] in [0] : vector<16xf32>, vector<16xi32> -> vector<16xf32>
      %parallel_loop3A_54 = arith.select %lt3A_4, %parallel_loop3A_17, %parallel_loop3A_53 : vector<16xi1>, vector<16xf32>
      %parallel_loop3A_55 = arith.constant 15 : i32
      %parallel_loop3A_56 = vector.broadcast %parallel_loop3A_55 : i32 to vector<16xi32>
      %parallel_loop3A_57 = tpu.iota {dimensions = array<i32: 0>} : vector<16xi32>
      %parallel_loop3A_58 = arith.subi %parallel_loop3A_56, %parallel_loop3A_57 : vector<16xi32>
      %parallel_loop3A_59 = tpu.dynamic_gather %parallel_loop3A_28[%parallel_loop3A_58] in [0] : vector<16xi32>, vector<16xi32> -> vector<16xi32>
      %parallel_loop3A_60 = arith.select %lt3A_4, %parallel_loop3A_18, %parallel_loop3A_59 : vector<16xi1>, vector<16xi32>
      %parallel_loop3A_61 = arith.constant dense<true> : vector<16xi1>
      %parallel_loop3A_62, %parallel_loop3A_63, %parallel_loop3A_64 = tpu.sort %parallel_loop3A_54, %parallel_loop3A_60 masked %parallel_loop3A_61 {descending = true} : (vector<16xf32>, vector<16xi32>, vector<16xi1>) -> (vector<16xi1>, vector<16xf32>, vector<16xi32>)
      %parallel_loop3A_65 = arith.constant 15 : i32
      %parallel_loop3A_66 = vector.broadcast %parallel_loop3A_65 : i32 to vector<16xi32>
      %parallel_loop3A_67 = tpu.iota {dimensions = array<i32: 0>} : vector<16xi32>
      %parallel_loop3A_68 = arith.subi %parallel_loop3A_66, %parallel_loop3A_67 : vector<16xi32>
      %parallel_loop3A_69 = tpu.dynamic_gather %parallel_loop3A_47[%parallel_loop3A_68] in [0] : vector<16xf32>, vector<16xi32> -> vector<16xf32>
      %parallel_loop3A_70 = arith.select %lt3A_4, %parallel_loop3A_37, %parallel_loop3A_69 : vector<16xi1>, vector<16xf32>
      %parallel_loop3A_71 = arith.constant 15 : i32
      %parallel_loop3A_72 = vector.broadcast %parallel_loop3A_71 : i32 to vector<16xi32>
      %parallel_loop3A_73 = tpu.iota {dimensions = array<i32: 0>} : vector<16xi32>
      %parallel_loop3A_74 = arith.subi %parallel_loop3A_72, %parallel_loop3A_73 : vector<16xi32>
      %parallel_loop3A_75 = tpu.dynamic_gather %parallel_loop3A_48[%parallel_loop3A_74] in [0] : vector<16xi32>, vector<16xi32> -> vector<16xi32>
      %parallel_loop3A_76 = arith.select %lt3A_4, %parallel_loop3A_38, %parallel_loop3A_75 : vector<16xi1>, vector<16xi32>
      %parallel_loop3A_77 = arith.constant dense<true> : vector<16xi1>
      %parallel_loop3A_78, %parallel_loop3A_79, %parallel_loop3A_80 = tpu.sort %parallel_loop3A_70, %parallel_loop3A_76 masked %parallel_loop3A_77 {descending = true} : (vector<16xf32>, vector<16xi32>, vector<16xi1>) -> (vector<16xi1>, vector<16xf32>, vector<16xi32>)
      %parallel_loop3A_81 = arith.constant 15 : i32
      %parallel_loop3A_82 = vector.broadcast %parallel_loop3A_81 : i32 to vector<16xi32>
      %parallel_loop3A_83 = tpu.iota {dimensions = array<i32: 0>} : vector<16xi32>
      %parallel_loop3A_84 = arith.subi %parallel_loop3A_82, %parallel_loop3A_83 : vector<16xi32>
      %parallel_loop3A_85 = tpu.dynamic_gather %parallel_loop3A_79[%parallel_loop3A_84] in [0] : vector<16xf32>, vector<16xi32> -> vector<16xf32>
      %parallel_loop3A_86 = arith.select %lt3A_4, %parallel_loop3A_63, %parallel_loop3A_85 : vector<16xi1>, vector<16xf32>
      %parallel_loop3A_87 = arith.constant 15 : i32
      %parallel_loop3A_88 = vector.broadcast %parallel_loop3A_87 : i32 to vector<16xi32>
      %parallel_loop3A_89 = tpu.iota {dimensions = array<i32: 0>} : vector<16xi32>
      %parallel_loop3A_90 = arith.subi %parallel_loop3A_88, %parallel_loop3A_89 : vector<16xi32>
      %parallel_loop3A_91 = tpu.dynamic_gather %parallel_loop3A_80[%parallel_loop3A_90] in [0] : vector<16xi32>, vector<16xi32> -> vector<16xi32>
      %parallel_loop3A_92 = arith.select %lt3A_4, %parallel_loop3A_64, %parallel_loop3A_91 : vector<16xi1>, vector<16xi32>
      %parallel_loop3A_93 = arith.constant dense<true> : vector<16xi1>
      %parallel_loop3A_94, %parallel_loop3A_95, %parallel_loop3A_96 = tpu.sort %parallel_loop3A_86, %parallel_loop3A_92 masked %parallel_loop3A_93 {descending = true} : (vector<16xf32>, vector<16xi32>, vector<16xi1>) -> (vector<16xi1>, vector<16xf32>, vector<16xi32>)
      %parallel_loop3A_97 = arith.constant true
      %parallel_loop3A_98 = vector.broadcast %parallel_loop3A_97 : i1 to vector<16xi1>
      %parallel_loop3A_99 = tpu.scan <max>, %parallel_loop3A_95 masked %parallel_loop3A_98 : vector<16xf32>, vector<16xi1> -> vector<16xf32>
      %parallel_loop3A_100 = vector.extract %parallel_loop3A_99[15] : f32 from vector<16xf32>
      %parallel_loop3A_101 = vector.broadcast %parallel_loop3A_100 : f32 to vector<16xf32>
      %parallel_loop3A_102 = arith.subf %parallel_loop3A_95, %parallel_loop3A_101 : vector<16xf32>
      %parallel_loop3A_103 = math.exp %parallel_loop3A_102 : vector<16xf32>
      %parallel_loop3A_104 = arith.constant 0.000000e+00 : f32
      %parallel_loop3A_105 = vector.broadcast %parallel_loop3A_104 : f32 to vector<16xf32>
      %parallel_loop3A_106 = arith.select %lt3A_4, %parallel_loop3A_103, %parallel_loop3A_105 : vector<16xi1>, vector<16xf32>
      %parallel_loop3A_107 = arith.constant true
      %parallel_loop3A_108 = vector.broadcast %parallel_loop3A_107 : i1 to vector<16xi1>
      %parallel_loop3A_109 = tpu.scan <sum>, %parallel_loop3A_106 masked %parallel_loop3A_108 : vector<16xf32>, vector<16xi1> -> vector<16xf32>
      %parallel_loop3A_110 = vector.extract %parallel_loop3A_109[15] : f32 from vector<16xf32>
      %parallel_loop3A_111 = vector.broadcast %parallel_loop3A_110 : f32 to vector<16xf32>
      %parallel_loop3A_112 = arith.divf %parallel_loop3A_106, %parallel_loop3A_111 : vector<16xf32>
      %parallel_loop3A_113 = arith.index_cast %parallel_loop3A_8 : i32 to index
      %parallel_loop3A_114 = arith.constant 0 : index
      %parallel_loop3A_115 = tpu.vector_load %arg6[%parallel_loop3A_113, %parallel_loop3A_114] {strides = array<i32>} : memref<256x64xf32, #tpu.memory_space<vmem>>, vector<16xf32>,
      tpu.vector_store %arg6[%parallel_loop3A_113, %parallel_loop3A_114], %broadcast_in_dim3A_5 {strides = array<i32>} : memref<256x64xf32, #tpu.memory_space<vmem>>, vector<16xf32>,
      %parallel_loop3A_116 = arith.index_cast %parallel_loop3A_8 : i32 to index
      %parallel_loop3A_117 = arith.constant 16 : index
      %parallel_loop3A_118 = tpu.vector_load %arg6[%parallel_loop3A_116, %parallel_loop3A_117] {strides = array<i32>} : memref<256x64xf32, #tpu.memory_space<vmem>>, vector<16xf32>,
      tpu.vector_store %arg6[%parallel_loop3A_116, %parallel_loop3A_117], %broadcast_in_dim3A_5 {strides = array<i32>} : memref<256x64xf32, #tpu.memory_space<vmem>>, vector<16xf32>,
      %parallel_loop3A_119 = arith.index_cast %parallel_loop3A_8 : i32 to index
      %parallel_loop3A_120 = arith.constant 32 : index
      %parallel_loop3A_121 = tpu.vector_load %arg6[%parallel_loop3A_119, %parallel_loop3A_120] {strides = array<i32>} : memref<256x64xf32, #tpu.memory_space<vmem>>, vector<16xf32>,
      tpu.vector_store %arg6[%parallel_loop3A_119, %parallel_loop3A_120], %broadcast_in_dim3A_5 {strides = array<i32>} : memref<256x64xf32, #tpu.memory_space<vmem>>, vector<16xf32>,
      %parallel_loop3A_122 = arith.index_cast %parallel_loop3A_8 : i32 to index
      %parallel_loop3A_123 = arith.constant 48 : index
      %parallel_loop3A_124 = tpu.vector_load %arg6[%parallel_loop3A_122, %parallel_loop3A_123] {strides = array<i32>} : memref<256x64xf32, #tpu.memory_space<vmem>>, vector<16xf32>,
      tpu.vector_store %arg6[%parallel_loop3A_122, %parallel_loop3A_123], %broadcast_in_dim3A_5 {strides = array<i32>} : memref<256x64xf32, #tpu.memory_space<vmem>>, vector<16xf32>,
      %parallel_loop3A_125 = vector.broadcast %parallel_loop3A_8 : i32 to vector<16xi32>
      tpu.vector_store_idx %arg6[%parallel_loop3A_125, %parallel_loop3A_96], %parallel_loop3A_112 masked %lt3A_4 : memref<256x64xf32, #tpu.memory_space<vmem>>[vector<16xi32>, vector<16xi32>], vector<16xf32>, vector<16xi1>
      %parallel_loop3A_126 = arith.index_cast %parallel_loop3A_8 : i32 to index
      %parallel_loop3A_127 = arith.constant 0 : index
      %parallel_loop3A_128 = tpu.vector_load %arg7[%parallel_loop3A_126, %parallel_loop3A_127] {strides = array<i32>} : memref<256x16xi32, #tpu.memory_space<vmem>>, vector<16xi32>,
      tpu.vector_store %arg7[%parallel_loop3A_126, %parallel_loop3A_127], %parallel_loop3A_96 {strides = array<i32>} : memref<256x16xi32, #tpu.memory_space<vmem>>, vector<16xi32>,
    } {sc.loop_unroll_factor = 4 : i64, sc.parallel_access}
    "tpu.region"() ({
      %run_scoped3A = tpu.sem_alloc : memref<!tpu.dma_semaphore, #tpu.memory_space<semaphore_mem>>
      %dma_start3A = arith.constant 0 : i32
      %dma_start3A_8 = tpu.memref_slice %arg3[%mul3A_2, %dma_start3A] : memref<8192x64xf32, #tpu.memory_space<hbm>> -> memref<256x64xf32, #tpu.memory_space<hbm>>
      %dma_start3A_9 = arith.constant 0 : i32
      %dma_start3A_10 = tpu.memref_slice %arg3[%mul3A_2, %dma_start3A_9] : memref<8192x64xf32, #tpu.memory_space<hbm>> -> memref<256x64xf32, #tpu.memory_space<hbm>>
      tpu.enqueue_dma source(%arg6 : memref<256x64xf32, #tpu.memory_space<vmem>>) target(%dma_start3A_10 : memref<256x64xf32, #tpu.memory_space<hbm>>) target_semaphore(%run_scoped3A : memref<!tpu.dma_semaphore, #tpu.memory_space<semaphore_mem>>)
      %dma_wait3A = arith.constant 0 : i32
      %dma_wait3A_11 = tpu.memref_slice %arg3[%mul3A_2, %dma_wait3A] : memref<8192x64xf32, #tpu.memory_space<hbm>> -> memref<256x64xf32, #tpu.memory_space<hbm>>
      %dma_wait3A_12 = arith.constant 0 : i32
      %dma_wait3A_13 = tpu.memref_slice %arg3[%mul3A_2, %dma_wait3A_12] : memref<8192x64xf32, #tpu.memory_space<hbm>> -> memref<256x64xf32, #tpu.memory_space<hbm>>
      tpu.wait_dma2 semaphore(%run_scoped3A : memref<!tpu.dma_semaphore, #tpu.memory_space<semaphore_mem>>) src(%arg6 : memref<256x64xf32, #tpu.memory_space<vmem>>) dst(%dma_wait3A_13 : memref<256x64xf32, #tpu.memory_space<hbm>>)
      tpu.yield
    }) : () -> ()
    "tpu.region"() ({
      %run_scoped3A = tpu.sem_alloc : memref<!tpu.dma_semaphore, #tpu.memory_space<semaphore_mem>>
      %dma_start3A = arith.constant 0 : i32
      %dma_start3A_8 = tpu.memref_slice %arg4[%mul3A_2, %dma_start3A] : memref<8192x16xi32, #tpu.memory_space<hbm>> -> memref<256x16xi32, #tpu.memory_space<hbm>>
      %dma_start3A_9 = arith.constant 0 : i32
      %dma_start3A_10 = tpu.memref_slice %arg4[%mul3A_2, %dma_start3A_9] : memref<8192x16xi32, #tpu.memory_space<hbm>> -> memref<256x16xi32, #tpu.memory_space<hbm>>
      tpu.enqueue_dma source(%arg7 : memref<256x16xi32, #tpu.memory_space<vmem>>) target(%dma_start3A_10 : memref<256x16xi32, #tpu.memory_space<hbm>>) target_semaphore(%run_scoped3A : memref<!tpu.dma_semaphore, #tpu.memory_space<semaphore_mem>>)
      %dma_wait3A = arith.constant 0 : i32
      %dma_wait3A_11 = tpu.memref_slice %arg4[%mul3A_2, %dma_wait3A] : memref<8192x16xi32, #tpu.memory_space<hbm>> -> memref<256x16xi32, #tpu.memory_space<hbm>>
      %dma_wait3A_12 = arith.constant 0 : i32
      %dma_wait3A_13 = tpu.memref_slice %arg4[%mul3A_2, %dma_wait3A_12] : memref<8192x16xi32, #tpu.memory_space<hbm>> -> memref<256x16xi32, #tpu.memory_space<hbm>>
      tpu.wait_dma2 semaphore(%run_scoped3A : memref<!tpu.dma_semaphore, #tpu.memory_space<semaphore_mem>>) src(%arg7 : memref<256x16xi32, #tpu.memory_space<vmem>>) dst(%dma_wait3A_13 : memref<256x16xi32, #tpu.memory_space<hbm>>)
      tpu.yield
    }) : () -> ()
    return
  }
}

#map = affine_map<(d0, d1) -> (0, 0)>
module attributes {stable_mosaic.version = 14 : i64} {
  func.func @_sc_route_body(%arg0: i32, %arg1: i32, %arg2: memref<8192x64xf32, #tpu.memory_space<hbm>>, %arg3: memref<8192x64xf32, #tpu.memory_space<hbm>>, %arg4: memref<8192x16xi32, #tpu.memory_space<hbm>>, %arg5: memref<256x64xf32, #tpu.memory_space<vmem>>, %arg6: memref<256x64xf32, #tpu.memory_space<vmem>>, %arg7: memref<256x16xi32, #tpu.memory_space<vmem>>) attributes {dimension_semantics = [#tpu.dimension_semantics<core_parallel>, #tpu.dimension_semantics<subcore_parallel>], iteration_bounds = array<i64: 2, 16>, scalar_prefetch = 0 : i64, scratch_operands = 3 : i64, tpu.core_type = #tpu.core_type<sc_vector_subcore>, window_params = [{transform_indices = #map}, {transform_indices = #map}, {transform_indices = #map}]} {
    %mul3A = arith.constant 2 : i32
    %mul3A_0 = arith.muli %arg1, %mul3A : i32
    %add3A = arith.addi %mul3A_0, %arg0 : i32
    %mul3A_1 = arith.constant 256 : i32
    %mul3A_2 = arith.muli %add3A, %mul3A_1 : i32
    "tpu.region"() ({
      %run_scoped3A = tpu.sem_alloc : memref<!tpu.dma_semaphore, #tpu.memory_space<semaphore_mem>>
      %dma_start3A = arith.constant 0 : i32
      %dma_start3A_8 = tpu.memref_slice %arg2[%mul3A_2, %dma_start3A] : memref<8192x64xf32, #tpu.memory_space<hbm>> -> memref<256x64xf32, #tpu.memory_space<hbm>>
      %dma_start3A_9 = arith.constant 0 : i32
      %dma_start3A_10 = tpu.memref_slice %arg2[%mul3A_2, %dma_start3A_9] : memref<8192x64xf32, #tpu.memory_space<hbm>> -> memref<256x64xf32, #tpu.memory_space<hbm>>
      tpu.enqueue_dma source(%dma_start3A_10 : memref<256x64xf32, #tpu.memory_space<hbm>>) target(%arg5 : memref<256x64xf32, #tpu.memory_space<vmem>>) target_semaphore(%run_scoped3A : memref<!tpu.dma_semaphore, #tpu.memory_space<semaphore_mem>>)
      %dma_wait3A = arith.constant 0 : i32
      %dma_wait3A_11 = tpu.memref_slice %arg2[%mul3A_2, %dma_wait3A] : memref<8192x64xf32, #tpu.memory_space<hbm>> -> memref<256x64xf32, #tpu.memory_space<hbm>>
      %dma_wait3A_12 = arith.constant 0 : i32
      %dma_wait3A_13 = tpu.memref_slice %arg2[%mul3A_2, %dma_wait3A_12] : memref<8192x64xf32, #tpu.memory_space<hbm>> -> memref<256x64xf32, #tpu.memory_space<hbm>>
      tpu.wait_dma2 semaphore(%run_scoped3A : memref<!tpu.dma_semaphore, #tpu.memory_space<semaphore_mem>>) src(%dma_wait3A_13 : memref<256x64xf32, #tpu.memory_space<hbm>>) dst(%arg5 : memref<256x64xf32, #tpu.memory_space<vmem>>)
      tpu.yield
    }) : () -> ()
    %iota3A = tpu.iota {dimensions = array<i32: 0>} : vector<16xi32>
    %lt3A = arith.constant 8 : i32
    %lt3A_3 = vector.broadcast %lt3A : i32 to vector<16xi32>
    %lt3A_4 = arith.cmpi slt, %iota3A, %lt3A_3 : vector<16xi32>
    %broadcast_in_dim3A = arith.constant 0.000000e+00 : f32
    %broadcast_in_dim3A_5 = vector.broadcast %broadcast_in_dim3A : f32 to vector<16xf32>
    %parallel_loop3A = arith.constant 0 : i32
    %parallel_loop3A_6 = arith.constant 256 : i32
    %parallel_loop3A_7 = arith.constant 1 : i32
    scf.for %parallel_loop3A_8 = %parallel_loop3A to %parallel_loop3A_6 step %parallel_loop3A_7  : i32 {
      %parallel_loop3A_9 = arith.index_cast %parallel_loop3A_8 : i32 to index
      %parallel_loop3A_10 = arith.constant 0 : index
      %parallel_loop3A_11 = tpu.vector_load %arg5[%parallel_loop3A_9, %parallel_loop3A_10] {strides = array<i32>} : memref<256x64xf32, #tpu.memory_space<vmem>>, vector<16xf32>,
      %parallel_loop3A_12 = arith.constant 0 : i32
      %parallel_loop3A_13 = vector.broadcast %parallel_loop3A_12 : i32 to vector<16xi32>
      %parallel_loop3A_14 = arith.addi %iota3A, %parallel_loop3A_13 : vector<16xi32>
      %parallel_loop3A_15 = arith.constant dense<true> : vector<16xi1>
      %parallel_loop3A_16, %parallel_loop3A_17, %parallel_loop3A_18 = tpu.sort %parallel_loop3A_11, %parallel_loop3A_14 masked %parallel_loop3A_15 {descending = true} : (vector<16xf32>, vector<16xi32>, vector<16xi1>) -> (vector<16xi1>, vector<16xf32>, vector<16xi32>)
      %parallel_loop3A_19 = arith.index_cast %parallel_loop3A_8 : i32 to index
      %parallel_loop3A_20 = arith.constant 16 : index
      %parallel_loop3A_21 = tpu.vector_load %arg5[%parallel_loop3A_19, %parallel_loop3A_20] {strides = array<i32>} : memref<256x64xf32, #tpu.memory_space<vmem>>, vector<16xf32>,
      %parallel_loop3A_22 = arith.constant 16 : i32
      %parallel_loop3A_23 = vector.broadcast %parallel_loop3A_22 : i32 to vector<16xi32>
      %parallel_loop3A_24 = arith.addi %iota3A, %parallel_loop3A_23 : vector<16xi32>
      %parallel_loop3A_25 = arith.constant dense<true> : vector<16xi1>
      %parallel_loop3A_26, %parallel_loop3A_27, %parallel_loop3A_28 = tpu.sort %parallel_loop3A_21, %parallel_loop3A_24 masked %parallel_loop3A_25 {descending = true} : (vector<16xf32>, vector<16xi32>, vector<16xi1>) -> (vector<16xi1>, vector<16xf32>, vector<16xi32>)
      %parallel_loop3A_29 = arith.index_cast %parallel_loop3A_8 : i32 to index
      %parallel_loop3A_30 = arith.constant 32 : index
      %parallel_loop3A_31 = tpu.vector_load %arg5[%parallel_loop3A_29, %parallel_loop3A_30] {strides = array<i32>} : memref<256x64xf32, #tpu.memory_space<vmem>>, vector<16xf32>,
      %parallel_loop3A_32 = arith.constant 32 : i32
      %parallel_loop3A_33 = vector.broadcast %parallel_loop3A_32 : i32 to vector<16xi32>
      %parallel_loop3A_34 = arith.addi %iota3A, %parallel_loop3A_33 : vector<16xi32>
      %parallel_loop3A_35 = arith.constant dense<true> : vector<16xi1>
      %parallel_loop3A_36, %parallel_loop3A_37, %parallel_loop3A_38 = tpu.sort %parallel_loop3A_31, %parallel_loop3A_34 masked %parallel_loop3A_35 {descending = true} : (vector<16xf32>, vector<16xi32>, vector<16xi1>) -> (vector<16xi1>, vector<16xf32>, vector<16xi32>)
      %parallel_loop3A_39 = arith.index_cast %parallel_loop3A_8 : i32 to index
      %parallel_loop3A_40 = arith.constant 48 : index
      %parallel_loop3A_41 = tpu.vector_load %arg5[%parallel_loop3A_39, %parallel_loop3A_40] {strides = array<i32>} : memref<256x64xf32, #tpu.memory_space<vmem>>, vector<16xf32>,
      %parallel_loop3A_42 = arith.constant 48 : i32
      %parallel_loop3A_43 = vector.broadcast %parallel_loop3A_42 : i32 to vector<16xi32>
      %parallel_loop3A_44 = arith.addi %iota3A, %parallel_loop3A_43 : vector<16xi32>
      %parallel_loop3A_45 = arith.constant dense<true> : vector<16xi1>
      %parallel_loop3A_46, %parallel_loop3A_47, %parallel_loop3A_48 = tpu.sort %parallel_loop3A_41, %parallel_loop3A_44 masked %parallel_loop3A_45 {descending = true} : (vector<16xf32>, vector<16xi32>, vector<16xi1>) -> (vector<16xi1>, vector<16xf32>, vector<16xi32>)
      %parallel_loop3A_49 = arith.constant 15 : i32
      %parallel_loop3A_50 = vector.broadcast %parallel_loop3A_49 : i32 to vector<16xi32>
      %parallel_loop3A_51 = tpu.iota {dimensions = array<i32: 0>} : vector<16xi32>
      %parallel_loop3A_52 = arith.subi %parallel_loop3A_50, %parallel_loop3A_51 : vector<16xi32>
      %parallel_loop3A_53 = tpu.dynamic_gather %parallel_loop3A_27[%parallel_loop3A_52] in [0] : vector<16xf32>, vector<16xi32> -> vector<16xf32>
      %parallel_loop3A_54 = arith.select %lt3A_4, %parallel_loop3A_17, %parallel_loop3A_53 : vector<16xi1>, vector<16xf32>
      %parallel_loop3A_55 = arith.constant 15 : i32
      %parallel_loop3A_56 = vector.broadcast %parallel_loop3A_55 : i32 to vector<16xi32>
      %parallel_loop3A_57 = tpu.iota {dimensions = array<i32: 0>} : vector<16xi32>
      %parallel_loop3A_58 = arith.subi %parallel_loop3A_56, %parallel_loop3A_57 : vector<16xi32>
      %parallel_loop3A_59 = tpu.dynamic_gather %parallel_loop3A_28[%parallel_loop3A_58] in [0] : vector<16xi32>, vector<16xi32> -> vector<16xi32>
      %parallel_loop3A_60 = arith.select %lt3A_4, %parallel_loop3A_18, %parallel_loop3A_59 : vector<16xi1>, vector<16xi32>
      %parallel_loop3A_61 = arith.constant dense<true> : vector<16xi1>
      %parallel_loop3A_62, %parallel_loop3A_63, %parallel_loop3A_64 = tpu.sort %parallel_loop3A_54, %parallel_loop3A_60 masked %parallel_loop3A_61 {descending = true} : (vector<16xf32>, vector<16xi32>, vector<16xi1>) -> (vector<16xi1>, vector<16xf32>, vector<16xi32>)
      %parallel_loop3A_65 = arith.constant 15 : i32
      %parallel_loop3A_66 = vector.broadcast %parallel_loop3A_65 : i32 to vector<16xi32>
      %parallel_loop3A_67 = tpu.iota {dimensions = array<i32: 0>} : vector<16xi32>
      %parallel_loop3A_68 = arith.subi %parallel_loop3A_66, %parallel_loop3A_67 : vector<16xi32>
      %parallel_loop3A_69 = tpu.dynamic_gather %parallel_loop3A_47[%parallel_loop3A_68] in [0] : vector<16xf32>, vector<16xi32> -> vector<16xf32>
      %parallel_loop3A_70 = arith.select %lt3A_4, %parallel_loop3A_37, %parallel_loop3A_69 : vector<16xi1>, vector<16xf32>
      %parallel_loop3A_71 = arith.constant 15 : i32
      %parallel_loop3A_72 = vector.broadcast %parallel_loop3A_71 : i32 to vector<16xi32>
      %parallel_loop3A_73 = tpu.iota {dimensions = array<i32: 0>} : vector<16xi32>
      %parallel_loop3A_74 = arith.subi %parallel_loop3A_72, %parallel_loop3A_73 : vector<16xi32>
      %parallel_loop3A_75 = tpu.dynamic_gather %parallel_loop3A_48[%parallel_loop3A_74] in [0] : vector<16xi32>, vector<16xi32> -> vector<16xi32>
      %parallel_loop3A_76 = arith.select %lt3A_4, %parallel_loop3A_38, %parallel_loop3A_75 : vector<16xi1>, vector<16xi32>
      %parallel_loop3A_77 = arith.constant dense<true> : vector<16xi1>
      %parallel_loop3A_78, %parallel_loop3A_79, %parallel_loop3A_80 = tpu.sort %parallel_loop3A_70, %parallel_loop3A_76 masked %parallel_loop3A_77 {descending = true} : (vector<16xf32>, vector<16xi32>, vector<16xi1>) -> (vector<16xi1>, vector<16xf32>, vector<16xi32>)
      %parallel_loop3A_81 = arith.constant 15 : i32
      %parallel_loop3A_82 = vector.broadcast %parallel_loop3A_81 : i32 to vector<16xi32>
      %parallel_loop3A_83 = tpu.iota {dimensions = array<i32: 0>} : vector<16xi32>
      %parallel_loop3A_84 = arith.subi %parallel_loop3A_82, %parallel_loop3A_83 : vector<16xi32>
      %parallel_loop3A_85 = tpu.dynamic_gather %parallel_loop3A_79[%parallel_loop3A_84] in [0] : vector<16xf32>, vector<16xi32> -> vector<16xf32>
      %parallel_loop3A_86 = arith.select %lt3A_4, %parallel_loop3A_63, %parallel_loop3A_85 : vector<16xi1>, vector<16xf32>
      %parallel_loop3A_87 = arith.constant 15 : i32
      %parallel_loop3A_88 = vector.broadcast %parallel_loop3A_87 : i32 to vector<16xi32>
      %parallel_loop3A_89 = tpu.iota {dimensions = array<i32: 0>} : vector<16xi32>
      %parallel_loop3A_90 = arith.subi %parallel_loop3A_88, %parallel_loop3A_89 : vector<16xi32>
      %parallel_loop3A_91 = tpu.dynamic_gather %parallel_loop3A_80[%parallel_loop3A_90] in [0] : vector<16xi32>, vector<16xi32> -> vector<16xi32>
      %parallel_loop3A_92 = arith.select %lt3A_4, %parallel_loop3A_64, %parallel_loop3A_91 : vector<16xi1>, vector<16xi32>
      %parallel_loop3A_93 = arith.constant dense<true> : vector<16xi1>
      %parallel_loop3A_94, %parallel_loop3A_95, %parallel_loop3A_96 = tpu.sort %parallel_loop3A_86, %parallel_loop3A_92 masked %parallel_loop3A_93 {descending = true} : (vector<16xf32>, vector<16xi32>, vector<16xi1>) -> (vector<16xi1>, vector<16xf32>, vector<16xi32>)
      %parallel_loop3A_97 = arith.constant true
      %parallel_loop3A_98 = vector.broadcast %parallel_loop3A_97 : i1 to vector<16xi1>
      %parallel_loop3A_99 = tpu.scan <max>, %parallel_loop3A_95 masked %parallel_loop3A_98 : vector<16xf32>, vector<16xi1> -> vector<16xf32>
      %parallel_loop3A_100 = vector.extract %parallel_loop3A_99[15] : f32 from vector<16xf32>
      %parallel_loop3A_101 = vector.broadcast %parallel_loop3A_100 : f32 to vector<16xf32>
      %parallel_loop3A_102 = arith.subf %parallel_loop3A_95, %parallel_loop3A_101 : vector<16xf32>
      %parallel_loop3A_103 = math.exp %parallel_loop3A_102 : vector<16xf32>
      %parallel_loop3A_104 = arith.constant 0.000000e+00 : f32
      %parallel_loop3A_105 = vector.broadcast %parallel_loop3A_104 : f32 to vector<16xf32>
      %parallel_loop3A_106 = arith.select %lt3A_4, %parallel_loop3A_103, %parallel_loop3A_105 : vector<16xi1>, vector<16xf32>
      %parallel_loop3A_107 = arith.constant true
      %parallel_loop3A_108 = vector.broadcast %parallel_loop3A_107 : i1 to vector<16xi1>
      %parallel_loop3A_109 = tpu.scan <sum>, %parallel_loop3A_106 masked %parallel_loop3A_108 : vector<16xf32>, vector<16xi1> -> vector<16xf32>
      %parallel_loop3A_110 = vector.extract %parallel_loop3A_109[15] : f32 from vector<16xf32>
      %parallel_loop3A_111 = vector.broadcast %parallel_loop3A_110 : f32 to vector<16xf32>
      %parallel_loop3A_112 = arith.divf %parallel_loop3A_106, %parallel_loop3A_111 : vector<16xf32>
      %parallel_loop3A_113 = arith.index_cast %parallel_loop3A_8 : i32 to index
      %parallel_loop3A_114 = arith.constant 0 : index
      %parallel_loop3A_115 = tpu.vector_load %arg6[%parallel_loop3A_113, %parallel_loop3A_114] {strides = array<i32>} : memref<256x64xf32, #tpu.memory_space<vmem>>, vector<16xf32>,
      tpu.vector_store %arg6[%parallel_loop3A_113, %parallel_loop3A_114], %broadcast_in_dim3A_5 {strides = array<i32>} : memref<256x64xf32, #tpu.memory_space<vmem>>, vector<16xf32>,
      %parallel_loop3A_116 = arith.index_cast %parallel_loop3A_8 : i32 to index
      %parallel_loop3A_117 = arith.constant 16 : index
      %parallel_loop3A_118 = tpu.vector_load %arg6[%parallel_loop3A_116, %parallel_loop3A_117] {strides = array<i32>} : memref<256x64xf32, #tpu.memory_space<vmem>>, vector<16xf32>,
      tpu.vector_store %arg6[%parallel_loop3A_116, %parallel_loop3A_117], %broadcast_in_dim3A_5 {strides = array<i32>} : memref<256x64xf32, #tpu.memory_space<vmem>>, vector<16xf32>,
      %parallel_loop3A_119 = arith.index_cast %parallel_loop3A_8 : i32 to index
      %parallel_loop3A_120 = arith.constant 32 : index
      %parallel_loop3A_121 = tpu.vector_load %arg6[%parallel_loop3A_119, %parallel_loop3A_120] {strides = array<i32>} : memref<256x64xf32, #tpu.memory_space<vmem>>, vector<16xf32>,
      tpu.vector_store %arg6[%parallel_loop3A_119, %parallel_loop3A_120], %broadcast_in_dim3A_5 {strides = array<i32>} : memref<256x64xf32, #tpu.memory_space<vmem>>, vector<16xf32>,
      %parallel_loop3A_122 = arith.index_cast %parallel_loop3A_8 : i32 to index
      %parallel_loop3A_123 = arith.constant 48 : index
      %parallel_loop3A_124 = tpu.vector_load %arg6[%parallel_loop3A_122, %parallel_loop3A_123] {strides = array<i32>} : memref<256x64xf32, #tpu.memory_space<vmem>>, vector<16xf32>,
      tpu.vector_store %arg6[%parallel_loop3A_122, %parallel_loop3A_123], %broadcast_in_dim3A_5 {strides = array<i32>} : memref<256x64xf32, #tpu.memory_space<vmem>>, vector<16xf32>,
      %parallel_loop3A_125 = vector.broadcast %parallel_loop3A_8 : i32 to vector<16xi32>
      tpu.vector_store_idx %arg6[%parallel_loop3A_125, %parallel_loop3A_96], %parallel_loop3A_112 masked %lt3A_4 : memref<256x64xf32, #tpu.memory_space<vmem>>[vector<16xi32>, vector<16xi32>], vector<16xf32>, vector<16xi1>
      %parallel_loop3A_126 = arith.index_cast %parallel_loop3A_8 : i32 to index
      %parallel_loop3A_127 = arith.constant 0 : index
      %parallel_loop3A_128 = tpu.vector_load %arg7[%parallel_loop3A_126, %parallel_loop3A_127] {strides = array<i32>} : memref<256x16xi32, #tpu.memory_space<vmem>>, vector<16xi32>,
      tpu.vector_store %arg7[%parallel_loop3A_126, %parallel_loop3A_127], %parallel_loop3A_96 {strides = array<i32>} : memref<256x16xi32, #tpu.memory_space<vmem>>, vector<16xi32>,
    } {sc.loop_unroll_factor = 4 : i64, sc.parallel_access}
    "tpu.region"() ({
      %run_scoped3A = tpu.sem_alloc : memref<!tpu.dma_semaphore, #tpu.memory_space<semaphore_mem>>
      %dma_start3A = arith.constant 0 : i32
      %dma_start3A_8 = tpu.memref_slice %arg3[%mul3A_2, %dma_start3A] : memref<8192x64xf32, #tpu.memory_space<hbm>> -> memref<256x64xf32, #tpu.memory_space<hbm>>
      %dma_start3A_9 = arith.constant 0 : i32
      %dma_start3A_10 = tpu.memref_slice %arg3[%mul3A_2, %dma_start3A_9] : memref<8192x64xf32, #tpu.memory_space<hbm>> -> memref<256x64xf32, #tpu.memory_space<hbm>>
      tpu.enqueue_dma source(%arg6 : memref<256x64xf32, #tpu.memory_space<vmem>>) target(%dma_start3A_10 : memref<256x64xf32, #tpu.memory_space<hbm>>) target_semaphore(%run_scoped3A : memref<!tpu.dma_semaphore, #tpu.memory_space<semaphore_mem>>)
      %dma_wait3A = arith.constant 0 : i32
      %dma_wait3A_11 = tpu.memref_slice %arg3[%mul3A_2, %dma_wait3A] : memref<8192x64xf32, #tpu.memory_space<hbm>> -> memref<256x64xf32, #tpu.memory_space<hbm>>
      %dma_wait3A_12 = arith.constant 0 : i32
      %dma_wait3A_13 = tpu.memref_slice %arg3[%mul3A_2, %dma_wait3A_12] : memref<8192x64xf32, #tpu.memory_space<hbm>> -> memref<256x64xf32, #tpu.memory_space<hbm>>
      tpu.wait_dma2 semaphore(%run_scoped3A : memref<!tpu.dma_semaphore, #tpu.memory_space<semaphore_mem>>) src(%arg6 : memref<256x64xf32, #tpu.memory_space<vmem>>) dst(%dma_wait3A_13 : memref<256x64xf32, #tpu.memory_space<hbm>>)
      tpu.yield
    }) : () -> ()
    "tpu.region"() ({
      %run_scoped3A = tpu.sem_alloc : memref<!tpu.dma_semaphore, #tpu.memory_space<semaphore_mem>>
      %dma_start3A = arith.constant 0 : i32
      %dma_start3A_8 = tpu.memref_slice %arg4[%mul3A_2, %dma_start3A] : memref<8192x16xi32, #tpu.memory_space<hbm>> -> memref<256x16xi32, #tpu.memory_space<hbm>>
      %dma_start3A_9 = arith.constant 0 : i32
      %dma_start3A_10 = tpu.memref_slice %arg4[%mul3A_2, %dma_start3A_9] : memref<8192x16xi32, #tpu.memory_space<hbm>> -> memref<256x16xi32, #tpu.memory_space<hbm>>
      tpu.enqueue_dma source(%arg7 : memref<256x16xi32, #tpu.memory_space<vmem>>) target(%dma_start3A_10 : memref<256x16xi32, #tpu.memory_space<hbm>>) target_semaphore(%run_scoped3A : memref<!tpu.dma_semaphore, #tpu.memory_space<semaphore_mem>>)
      %dma_wait3A = arith.constant 0 : i32
      %dma_wait3A_11 = tpu.memref_slice %arg4[%mul3A_2, %dma_wait3A] : memref<8192x16xi32, #tpu.memory_space<hbm>> -> memref<256x16xi32, #tpu.memory_space<hbm>>
      %dma_wait3A_12 = arith.constant 0 : i32
      %dma_wait3A_13 = tpu.memref_slice %arg4[%mul3A_2, %dma_wait3A_12] : memref<8192x16xi32, #tpu.memory_space<hbm>> -> memref<256x16xi32, #tpu.memory_space<hbm>>
      tpu.wait_dma2 semaphore(%run_scoped3A : memref<!tpu.dma_semaphore, #tpu.memory_space<semaphore_mem>>) src(%arg7 : memref<256x16xi32, #tpu.memory_space<vmem>>) dst(%dma_wait3A_13 : memref<256x16xi32, #tpu.memory_space<hbm>>)
      tpu.yield
    }) : () -> ()
    return
  }
}

module attributes {stable_mosaic.version = 14 : i64} {
  func.func @_gemm_body(%arg0: i32, %arg1: memref<1xf32, #tpu.memory_space<smem>>, %arg2: memref<512x4096xf32, #tpu.memory_space<vmem>>, %arg3: memref<4096x128xf32, #tpu.memory_space<vmem>>, %arg4: memref<1x128xf32, #tpu.memory_space<vmem>>, %arg5: memref<128x64xf32, #tpu.memory_space<vmem>>, %arg6: memref<1x64xf32, #tpu.memory_space<vmem>>, %arg7: memref<512x64xf32, #tpu.memory_space<vmem>>) attributes {dimension_semantics = [#tpu.dimension_semantics<arbitrary>], iteration_bounds = array<i64: 16>, scalar_prefetch = 0 : i64, scratch_operands = 0 : i64, tpu.core_type = #tpu.core_type<tc>, window_params = [{transform_indices = @transform_0, window_bounds = array<i64: 1>}, {transform_indices = @transform_1, window_bounds = array<i64: 512, 4096>}, {pipeline_mode = #tpu.pipeline_mode<synchronous>, transform_indices = @transform_2, window_bounds = array<i64: 4096, 128>}, {pipeline_mode = #tpu.pipeline_mode<synchronous>, transform_indices = @transform_3, window_bounds = array<i64: 1, 128>}, {pipeline_mode = #tpu.pipeline_mode<synchronous>, transform_indices = @transform_4, window_bounds = array<i64: 128, 64>}, {pipeline_mode = #tpu.pipeline_mode<synchronous>, transform_indices = @transform_5, window_bounds = array<i64: 1, 64>}, {transform_indices = @transform_6, window_bounds = array<i64: 512, 64>}]} {
    %get3A = arith.constant 0 : index
    %get3A_0 = memref.load %arg1[%get3A] : memref<1xf32, #tpu.memory_space<smem>>
    %jit3A = arith.constant 5.000000e-01 : f32
    %jit3A_1 = arith.constant 2.000000e+00 : f32
    %max3A = arith.maximumf %jit3A, %get3A_0 : f32
    %min3A = arith.minimumf %jit3A_1, %max3A : f32
    %get3A_2 = arith.constant 0 : index
    %get3A_3 = arith.constant 0 : index
    %get3A_4 = vector.load %arg2[%get3A_2, %get3A_3] : memref<512x4096xf32, #tpu.memory_space<vmem>>, vector<512x4096xf32>
    %get3A_5 = arith.constant 0 : index
    %get3A_6 = arith.constant 0 : index
    %get3A_7 = vector.load %arg3[%get3A_5, %get3A_6] : memref<4096x128xf32, #tpu.memory_space<vmem>>, vector<4096x128xf32>
    %dot_general3A = arith.constant dense<0.000000e+00> : vector<512x128xf32>
    %dot_general3A_8 = tpu.matmul %get3A_4, %get3A_7, %dot_general3A {dimension_numbers = #tpu.dot_dimension_numbers<[1], [0], [0], [1], [0, 0, 1, 1], [], []>, transpose_lhs_hint = false} : vector<512x4096xf32>, vector<4096x128xf32>, vector<512x128xf32> -> vector<512x128xf32>
    %get3A_9 = arith.constant 0 : index
    %get3A_10 = arith.constant 0 : index
    %get3A_11 = vector.load %arg4[%get3A_9, %get3A_10] : memref<1x128xf32, #tpu.memory_space<vmem>>, vector<1x128xf32>
    %add3A = vector.broadcast %get3A_11 : vector<1x128xf32> to vector<512x128xf32>
    %add3A_12 = arith.addf %dot_general3A_8, %add3A : vector<512x128xf32>
    %max3A_13 = arith.constant 0.000000e+00 : f32
    %max3A_14 = vector.broadcast %max3A_13 : f32 to vector<512x128xf32>
    %max3A_15 = arith.maximumf %add3A_12, %max3A_14 : vector<512x128xf32>
    %get3A_16 = arith.constant 0 : index
    %get3A_17 = arith.constant 0 : index
    %get3A_18 = vector.load %arg5[%get3A_16, %get3A_17] : memref<128x64xf32, #tpu.memory_space<vmem>>, vector<128x64xf32>
    %dot_general3A_19 = arith.constant dense<0.000000e+00> : vector<512x64xf32>
    %dot_general3A_20 = tpu.matmul %max3A_15, %get3A_18, %dot_general3A_19 {dimension_numbers = #tpu.dot_dimension_numbers<[1], [0], [0], [1], [0, 0, 1, 1], [], []>, transpose_lhs_hint = false} : vector<512x128xf32>, vector<128x64xf32>, vector<512x64xf32> -> vector<512x64xf32>
    %get3A_21 = arith.constant 0 : index
    %get3A_22 = arith.constant 0 : index
    %get3A_23 = vector.load %arg6[%get3A_21, %get3A_22] : memref<1x64xf32, #tpu.memory_space<vmem>>, vector<1x64xf32>
    %add3A_24 = vector.broadcast %get3A_23 : vector<1x64xf32> to vector<512x64xf32>
    %add3A_25 = arith.addf %dot_general3A_20, %add3A_24 : vector<512x64xf32>
    %div3A = vector.broadcast %min3A : f32 to vector<512x64xf32>
    %div3A_26 = arith.divf %add3A_25, %div3A : vector<512x64xf32>
    %swap3A = arith.constant 0 : index
    %swap3A_27 = arith.constant 0 : index
    %swap3A_28 = vector.load %arg7[%swap3A, %swap3A_27] : memref<512x64xf32, #tpu.memory_space<vmem>>, vector<512x64xf32>
    tpu.vector_store %arg7[%swap3A, %swap3A_27], %div3A_26 {strides = array<i32>} : memref<512x64xf32, #tpu.memory_space<vmem>>, vector<512x64xf32>,
    return
  }
  func.func @transform_0(%arg0: i32) -> i32 {
    %c0_i32 = arith.constant 0 : i32
    %c0_i32_0 = arith.constant 0 : i32
    return %c0_i32 : i32
  }
  func.func @transform_1(%arg0: i32) -> (i32, i32) {
    %add3A = arith.constant 16 : i32
    %add3A_0 = arith.addi %add3A, %arg0 : i32
    %c0_i32 = arith.constant 0 : i32
    %c0_i32_1 = arith.constant 0 : i32
    return %add3A_0, %c0_i32 : i32, i32
  }
  func.func @transform_2(%arg0: i32) -> (i32, i32) {
    %c0_i32 = arith.constant 0 : i32
    %c0_i32_0 = arith.constant 0 : i32
    %c0_i32_1 = arith.constant 0 : i32
    return %c0_i32, %c0_i32_0 : i32, i32
  }
  func.func @transform_3(%arg0: i32) -> (i32, i32) {
    %c0_i32 = arith.constant 0 : i32
    %c0_i32_0 = arith.constant 0 : i32
    %c0_i32_1 = arith.constant 0 : i32
    return %c0_i32, %c0_i32_0 : i32, i32
  }
  func.func @transform_4(%arg0: i32) -> (i32, i32) {
    %c0_i32 = arith.constant 0 : i32
    %c0_i32_0 = arith.constant 0 : i32
    %c0_i32_1 = arith.constant 0 : i32
    return %c0_i32, %c0_i32_0 : i32, i32
  }
  func.func @transform_5(%arg0: i32) -> (i32, i32) {
    %c0_i32 = arith.constant 0 : i32
    %c0_i32_0 = arith.constant 0 : i32
    %c0_i32_1 = arith.constant 0 : i32
    return %c0_i32, %c0_i32_0 : i32, i32
  }
  func.func @transform_6(%arg0: i32) -> (i32, i32) {
    %c0_i32 = arith.constant 0 : i32
    %c0_i32_0 = arith.constant 0 : i32
    return %arg0, %c0_i32 : i32, i32
  }
}

module attributes {stable_mosaic.version = 14 : i64} {
  func.func @_gemm_body(%arg0: i32, %arg1: memref<1xf32, #tpu.memory_space<smem>>, %arg2: memref<512x4096xf32, #tpu.memory_space<vmem>>, %arg3: memref<4096x128xf32, #tpu.memory_space<vmem>>, %arg4: memref<1x128xf32, #tpu.memory_space<vmem>>, %arg5: memref<128x64xf32, #tpu.memory_space<vmem>>, %arg6: memref<1x64xf32, #tpu.memory_space<vmem>>, %arg7: memref<512x64xf32, #tpu.memory_space<vmem>>) attributes {dimension_semantics = [#tpu.dimension_semantics<arbitrary>], iteration_bounds = array<i64: 16>, scalar_prefetch = 0 : i64, scratch_operands = 0 : i64, tpu.core_type = #tpu.core_type<tc>, window_params = [{transform_indices = @transform_0, window_bounds = array<i64: 1>}, {transform_indices = @transform_1, window_bounds = array<i64: 512, 4096>}, {pipeline_mode = #tpu.pipeline_mode<synchronous>, transform_indices = @transform_2, window_bounds = array<i64: 4096, 128>}, {pipeline_mode = #tpu.pipeline_mode<synchronous>, transform_indices = @transform_3, window_bounds = array<i64: 1, 128>}, {pipeline_mode = #tpu.pipeline_mode<synchronous>, transform_indices = @transform_4, window_bounds = array<i64: 128, 64>}, {pipeline_mode = #tpu.pipeline_mode<synchronous>, transform_indices = @transform_5, window_bounds = array<i64: 1, 64>}, {transform_indices = @transform_6, window_bounds = array<i64: 512, 64>}]} {
    %get3A = arith.constant 0 : index
    %get3A_0 = memref.load %arg1[%get3A] : memref<1xf32, #tpu.memory_space<smem>>
    %jit3A = arith.constant 5.000000e-01 : f32
    %jit3A_1 = arith.constant 2.000000e+00 : f32
    %max3A = arith.maximumf %jit3A, %get3A_0 : f32
    %min3A = arith.minimumf %jit3A_1, %max3A : f32
    %get3A_2 = arith.constant 0 : index
    %get3A_3 = arith.constant 0 : index
    %get3A_4 = vector.load %arg2[%get3A_2, %get3A_3] : memref<512x4096xf32, #tpu.memory_space<vmem>>, vector<512x4096xf32>
    %get3A_5 = arith.constant 0 : index
    %get3A_6 = arith.constant 0 : index
    %get3A_7 = vector.load %arg3[%get3A_5, %get3A_6] : memref<4096x128xf32, #tpu.memory_space<vmem>>, vector<4096x128xf32>
    %dot_general3A = arith.constant dense<0.000000e+00> : vector<512x128xf32>
    %dot_general3A_8 = tpu.matmul %get3A_4, %get3A_7, %dot_general3A {dimension_numbers = #tpu.dot_dimension_numbers<[1], [0], [0], [1], [0, 0, 1, 1], [], []>, transpose_lhs_hint = false} : vector<512x4096xf32>, vector<4096x128xf32>, vector<512x128xf32> -> vector<512x128xf32>
    %get3A_9 = arith.constant 0 : index
    %get3A_10 = arith.constant 0 : index
    %get3A_11 = vector.load %arg4[%get3A_9, %get3A_10] : memref<1x128xf32, #tpu.memory_space<vmem>>, vector<1x128xf32>
    %add3A = vector.broadcast %get3A_11 : vector<1x128xf32> to vector<512x128xf32>
    %add3A_12 = arith.addf %dot_general3A_8, %add3A : vector<512x128xf32>
    %max3A_13 = arith.constant 0.000000e+00 : f32
    %max3A_14 = vector.broadcast %max3A_13 : f32 to vector<512x128xf32>
    %max3A_15 = arith.maximumf %add3A_12, %max3A_14 : vector<512x128xf32>
    %get3A_16 = arith.constant 0 : index
    %get3A_17 = arith.constant 0 : index
    %get3A_18 = vector.load %arg5[%get3A_16, %get3A_17] : memref<128x64xf32, #tpu.memory_space<vmem>>, vector<128x64xf32>
    %dot_general3A_19 = arith.constant dense<0.000000e+00> : vector<512x64xf32>
    %dot_general3A_20 = tpu.matmul %max3A_15, %get3A_18, %dot_general3A_19 {dimension_numbers = #tpu.dot_dimension_numbers<[1], [0], [0], [1], [0, 0, 1, 1], [], []>, transpose_lhs_hint = false} : vector<512x128xf32>, vector<128x64xf32>, vector<512x64xf32> -> vector<512x64xf32>
    %get3A_21 = arith.constant 0 : index
    %get3A_22 = arith.constant 0 : index
    %get3A_23 = vector.load %arg6[%get3A_21, %get3A_22] : memref<1x64xf32, #tpu.memory_space<vmem>>, vector<1x64xf32>
    %add3A_24 = vector.broadcast %get3A_23 : vector<1x64xf32> to vector<512x64xf32>
    %add3A_25 = arith.addf %dot_general3A_20, %add3A_24 : vector<512x64xf32>
    %div3A = vector.broadcast %min3A : f32 to vector<512x64xf32>
    %div3A_26 = arith.divf %add3A_25, %div3A : vector<512x64xf32>
    %swap3A = arith.constant 0 : index
    %swap3A_27 = arith.constant 0 : index
    %swap3A_28 = vector.load %arg7[%swap3A, %swap3A_27] : memref<512x64xf32, #tpu.memory_space<vmem>>, vector<512x64xf32>
    tpu.vector_store %arg7[%swap3A, %swap3A_27], %div3A_26 {strides = array<i32>} : memref<512x64xf32, #tpu.memory_space<vmem>>, vector<512x64xf32>,
    return
  }
  func.func @transform_0(%arg0: i32) -> i32 {
    %c0_i32 = arith.constant 0 : i32
    %c0_i32_0 = arith.constant 0 : i32
    return %c0_i32 : i32
  }
  func.func @transform_1(%arg0: i32) -> (i32, i32) {
    %add3A = arith.constant 0 : i32
    %add3A_0 = arith.addi %add3A, %arg0 : i32
    %c0_i32 = arith.constant 0 : i32
    %c0_i32_1 = arith.constant 0 : i32
    return %add3A_0, %c0_i32 : i32, i32
  }
  func.func @transform_2(%arg0: i32) -> (i32, i32) {
    %c0_i32 = arith.constant 0 : i32
    %c0_i32_0 = arith.constant 0 : i32
    %c0_i32_1 = arith.constant 0 : i32
    return %c0_i32, %c0_i32_0 : i32, i32
  }
  func.func @transform_3(%arg0: i32) -> (i32, i32) {
    %c0_i32 = arith.constant 0 : i32
    %c0_i32_0 = arith.constant 0 : i32
    %c0_i32_1 = arith.constant 0 : i32
    return %c0_i32, %c0_i32_0 : i32, i32
  }
  func.func @transform_4(%arg0: i32) -> (i32, i32) {
    %c0_i32 = arith.constant 0 : i32
    %c0_i32_0 = arith.constant 0 : i32
    %c0_i32_1 = arith.constant 0 : i32
    return %c0_i32, %c0_i32_0 : i32, i32
  }
  func.func @transform_5(%arg0: i32) -> (i32, i32) {
    %c0_i32 = arith.constant 0 : i32
    %c0_i32_0 = arith.constant 0 : i32
    %c0_i32_1 = arith.constant 0 : i32
    return %c0_i32, %c0_i32_0 : i32, i32
  }
  func.func @transform_6(%arg0: i32) -> (i32, i32) {
    %c0_i32 = arith.constant 0 : i32
    %c0_i32_0 = arith.constant 0 : i32
    return %arg0, %c0_i32 : i32, i32
  }
}

</mosaic_0001>

<sc_bundles>
// kernel: kernel.6.cloned.1.call-start
scs
__scs_entry_jumppad:
0x0: {  	(pc) =	sbr.rel $0x88, $3  }
0x1: {  	(tag) =	ssettag $0x0;
	lr =	simm.s32 $0x1  }
0x2: {  	[smem:$0x3F9B] =	sst lr;
	_ =	strace $0xD0000000  }
0x3: {  	_ = 	snop  }
0x4: {  	_ = 	snop  }
0x5: {  	_ = 	snop  }
0x6: {  	_ = 	snop  }
0x7: {  	_ = 	snop  }
__scs_overlays_trampoline_lowered:
0x8: {  	[smem:$0x3FAA] =	sst s0  }
0x9: {  	[smem:$0x3FAB] =	sst s1  }
0xa: {  	[smem:$0x3FAC] =	sst s2  }
0xb: {  	[smem:$0x3FAD] =	sst s3  }
0xc: {  	[smem:$0x3FAE] =	sst s4  }
0xd: {  	[smem:$0x3FAF] =	sst s5  }
0xe: {  	[smem:$0x3FB0] =	sst s6  }
0xf: {  	[smem:$0x3FB1] =	sst s7  }
0x10: {  	[smem:$0x3FB2] =	sst s8  }
0x11: {  	[smem:$0x3FB3] =	sst s9;
	s0 =	simm.s32 @!p0 $0x0  }
0x12: {  	s1 =	sld [smem:$0x3F99];
	s0 =	simm.s32 @p0 $0x1  }
0x13: {  	[smem:$0x3FB4] =	sst s0;
	s0 =	simm.s32 @!p1 $0x0  }
0x14: {  	s2 =	sld [smem:$0x3F98];
	s0 =	simm.s32 @p1 $0x1  }
0x15: {  	[smem:$0x3FB5] =	sst s0;
	s0 =	simm.s32 @!p2 $0x0  }
0x16: {  	s3 =	sld [smem:$0x3FDB];
	s0 =	simm.s32 @p2 $0x1  }
0x17: {  	s4 =	simm.s32 $0x1BF5;
	[smem:$0x3FB7] =	sst s0  }
0x18: {  	s0 =	sld [smem:$0x3F9A];
	_ =	swait.ge [sflag:s4], $0x0  }
0x19: {  	s7 =	sld [smem:$0x3F9B]  }
0x1a: {  	s8 =	sadd.s32 $0xFFFFE003, lr  }
0x1b: {  	s9 =	sadd.s32 $0xFFFFFEF7, lr;
	s5 =	simm.s32 $0xFFFFFFFF;
	p2 =	slt.u32 s8, $0xFFFFF086  }
0x1c: {  	p1 =	slt.u32 s9, $0xF7A;
	s5 =	simm.s32 @!p2 $0x0  }
0x1d: {  	s5 =	simm.s32 @p1 $0x1;
	p0 =	seq.s32 s7, s2  }
0x1e: {  	s7 =	smul.u32 @!p0 $0xF7A, s2;
	p2 =	seq.s32 @!p0 s5, $0x0  }
0x1f: {  	s9 =	smul.u32 $0xF7A, s1;
	s8 =	simm.s32 @!p0 $0x1BF5;
	p2 =	por !p2, p0  }
0x20: {  	[sflag:s8] =	ssyncset.s32 @!p0 $0xFFFFF086;
	s6 =	sadd.s32 @!p0 s3, s7;
	s7 =	simm.s32 @!p0 $0x108  }
0x21: {  	s3 =	sadd.s32 s3, s9;
	s6 =	sadd.s32 @!p0 $0x88, s6;
	s7 =	simm.s32 @p2 $0x1082  }
0x22: {  	[simem:s7], [sflag:s8] =	dma.local @!p0 [hbm:s6], $0xF7A  }
0x23: {  	s9 =	sor.u32 $0xD0000000, s2;
	s6 =	simm.s32 $0x108;
	_ =	swait.ge @!p0 [sflag:s8], $0x0  }
0x24: {  	s3 =	sadd.s32 $0x88, s3;
	s6 =	simm.s32 @!p1 $0x1082;
	[sflag:s4] =	ssyncset.s32 $0xFFFFF086  }
0x25: {  	[simem:s6], [sflag:s4] =	dma.local [hbm:s3], $0xF7A  }
0x26: {  	[smem:$0x3F9B] =	sst s1;
	(tag) =	ssettag s2;
	_ =	strace s9  }
0x27: {  	s1 =	sld [smem:$0x3FAB]  }
0x28: {  	s2 =	sld [smem:$0x3FAC]  }
0x29: {  	s4 =	sld [smem:$0x3FAE]  }
0x2a: {  	p0 =	seq.s32 s5, $0x0;
	s5 =	sld [smem:$0x3FAF]  }
0x2b: {  	s6 =	sld [smem:$0x3FB0]  }
0x2c: {  	s7 =	sld [smem:$0x3FB1]  }
0x2d: {  	s3 =	simm.s32 $0x108;
	s8 =	sld [smem:$0x3FB2]  }
0x2e: {  	s3 =	simm.s32 @!p0 $0x1082;
	s9 =	sld [smem:$0x3FB3]  }
0x2f: {  	lr =	sadd.s32 s0, s3;
	s0 =	sld [smem:$0x3FAA]  }
0x30: {  	s3 =	sld [smem:$0x3FAD]  }
0x31: {  	[smem:$0x3FB6] =	sst s10  }
0x32: {  	s10 =	sld [smem:$0x3FB4];
	_ =	sdelay $0x3  }
0x33: {  	p0 =	seq.s32 s10, $0x1;
	s10 =	sld [smem:$0x3FB6];
	_ =	sdelay $0x3  }
0x34: {  	[smem:$0x3FB6] =	sst s10  }
0x35: {  	s10 =	sld [smem:$0x3FB5];
	_ =	sdelay $0x3  }
0x36: {  	p1 =	seq.s32 s10, $0x1;
	s10 =	sld [smem:$0x3FB6];
	_ =	sdelay $0x3  }
0x37: {  	[smem:$0x3FB6] =	sst s10  }
0x38: {  	s10 =	sld [smem:$0x3FB7]  }
0x39: {  	_ = 	snop;
	(pc) =	sbr.ind lr, $3  }
0x3a: {  	_ = 	snop  }
0x3b: {  	_ = 	snop  }
0x3c: {  	p2 =	seq.s32 s10, $0x1;
	s10 =	sld [smem:$0x3FB6]  }
0x3d: {  	_ =	shalt  }
0x3e: {  	_ =	shalt  }
0x3f: {  	_ =	shalt  }
0x40: {  	_ =	shalt  }
0x41: {  	_ =	shalt  }
0x42: {  	_ =	shalt  }
0x43: {  	_ =	shalt  }
0x44: {  	_ =	shalt  }
0x45: {  	_ =	shalt  }
0x46: {  	_ =	shalt  }
0x47: {  	_ =	shalt  }
0x48: {  	_ =	shalt  }
0x49: {  	_ =	shalt  }
0x4a: {  	_ =	shalt  }
0x4b: {  	_ =	shalt  }
0x4c: {  	_ =	shalt  }
0x4d: {  	_ =	shalt  }
0x4e: {  	_ =	shalt  }
0x4f: {  	_ =	shalt  }
0x50: {  	_ =	shalt  }
0x51: {  	_ =	shalt  }
0x52: {  	_ =	shalt  }
0x53: {  	_ =	shalt  }
0x54: {  	_ =	shalt  }
0x55: {  	_ =	shalt  }
0x56: {  	_ =	shalt  }
0x57: {  	_ =	shalt  }
0x58: {  	_ =	shalt  }
0x59: {  	_ =	shalt  }
0x5a: {  	_ =	shalt  }
0x5b: {  	_ =	shalt  }
0x5c: {  	_ =	shalt  }
0x5d: {  	_ =	shalt  }
0x5e: {  	_ =	shalt  }
0x5f: {  	_ =	shalt  }
0x60: {  	_ =	shalt  }
0x61: {  	_ =	shalt  }
0x62: {  	_ =	shalt  }
0x63: {  	_ =	shalt  }
0x64: {  	_ =	shalt  }
0x65: {  	_ =	shalt  }
0x66: {  	_ =	shalt  }
0x67: {  	_ =	shalt  }
0x68: {  	_ =	shalt  }
0x69: {  	_ =	shalt  }
0x6a: {  	_ =	shalt  }
0x6b: {  	_ =	shalt  }
0x6c: {  	_ =	shalt  }
0x6d: {  	_ =	shalt  }
0x6e: {  	_ =	shalt  }
0x6f: {  	_ =	shalt  }
0x70: {  	_ =	shalt  }
0x71: {  	_ =	shalt  }
0x72: {  	_ =	shalt  }
0x73: {  	_ =	shalt  }
0x74: {  	_ =	shalt  }
0x75: {  	_ =	shalt  }
0x76: {  	_ =	shalt  }
0x77: {  	_ =	shalt  }
0x78: {  	_ =	shalt  }
0x79: {  	_ =	shalt  }
0x7a: {  	_ =	shalt  }
0x7b: {  	_ =	shalt  }
0x7c: {  	_ =	shalt  }
0x7d: {  	_ =	shalt  }
0x7e: {  	_ =	shalt  }
0x7f: {  	_ =	shalt  }
0x80: {  	_ =	shalt  }
0x81: {  	_ =	shalt  }
0x82: {  	_ =	shalt  }
0x83: {  	_ =	shalt  }
0x84: {  	_ =	shalt  }
0x85: {  	_ =	shalt  }
0x86: {  	_ =	shalt  }
0x87: {  	_ =	shalt  }
.Lfunc_end0:
.L_simem_size_0:
called_computation_lowered:
.L_overlay_start_0:
0x88: {  	s2 =	sld [smem:$0x3FD9]  }
0x89: {  	s3 =	sld [smem:$0x3FFE];
	_ =	sdelay $0x1  }
0x8a: {  	s1 =	srdreg.scid  }
0x8b: {  	s0 =	sand.u32 $0x1, s1  }
0x8c: {  	s16 =	sshll.u32 s0, $0xA;
	s2 =	sadd.s32 s3, s2  }
0x8d: {  	s2 =	sadd.s32 s2, s16  }
0x8e: {  	[smem:$0x3FC2] =	sst s2  }
0x8f: {  	_ = 	snop  }
0x90: {  	(tm) =	ssettm $0x1  }
0x91: {  	s17 =	sld [smem:$0x3FFB];
	_ =	sdelay $0x3  }
0x92: {  	_ =	strace s17  }
0x93: {  	s2 =	sld [smem:$0x3FFC];
	_ =	sdelay $0x3  }
0x94: {  	_ =	strace s2  }
0x95: {  	s2 =	sld [smem:$0x3FFD];
	_ =	sdelay $0x3  }
0x96: {  	_ =	strace s2  }
0x97: {  	_ =	strace $0x8FFFFFFF  }
0x98: {  	s18 =	sld [smem:$0x3FDB];
	_ =	sdelay $0x1  }
0x99: {  	s19 =	simm.s32 $_scs_section_size  }
0x9a: {  	s4 =	simm.s32 $_size__tile_overlayer_lowered;
	s5 =	simm.s32 $_tile_overlayer_lowered  }
0x9b: {  	s22 =	simm.s32 $0x1BFF;
	s21 =	sshll.u32 s5, $0x1;
	s2 =	sadd.s32 s19, s18  }
0x9c: {  	s6 =	simm.s32 $0x0;
	s20 =	sshll.u32 s4, $0x1;
	s4 =	sadd.s32 s21, s2  }
0x9d: {  	[timem:s6], [sflag:s22] =	dma.local [hbm:s4], s20  }
0x9e: {  	_ =	swait.ge [sflag:s22], s20  }
0x9f: {  	s3 =	ssub.s32 $0x0, s20;
	[sflag:s22] =	ssyncset.done $0x0  }
0xa0: {  	[sflag:s22] =	ssyncadd.s32 s3;
	_ =	sdelay $0x1  }
0xa1: {  	s23 =	simm.s32 $0x1B8B  }
0xa2: {  	_ =	swait.ge [sflag:s23], $0x1  }
0xa3: {  	[sflag:s23] =	ssyncset.done $0x0  }
0xa4: {  	s25 =	simm.s32 $0x1B8E;
	s24 =	sld [smem:$0x3FFE];
	[sflag:s23] =	ssyncadd.s32 $0xFFFFFFFF  }
0xa5: {  	s26 =	simm.s32 $execute0_lowered;
	[smem:$0x3FD2] =	sst s25  }
0xa6: {  	s4 =	sshll.u32 s26, $0x1;
	_ =	strace $0x80000046;
	[dreg:$0x1] =	wrdreg $0xFFFFFFFF  }
0xa7: {  	s28 =	simm.s32 $_size_execute0_lowered;
	s2 =	sadd.s32 s2, s4;
	[dreg:$0x0] =	wrdreg $0x0  }
0xa8: {  	s4 =	sshll.u32 s28, $0x1;
	[dreg:$0x2] =	wrdreg s2  }
0xa9: {  	[dreg:$0x3] =	wrdreg s4  }
0xaa: {  	[dreg:$0x4] =	wrdreg $0xC0  }
0xab: {  	_ =	task [dreg:s6], $0x5FFFF  }
0xac: {  	[dreg:$0x1] =	wrdreg $0xFFFFFFFF  }
0xad: {  	[dreg:$0x0] =	wrdreg $0x60  }
0xae: {  	[dreg:$0x2] =	wrdreg s24  }
0xaf: {  	[dreg:$0x3] =	wrdreg $0x9  }
0xb0: {  	_ =	task.clear_ibuf [dreg:s6], $0x4FFFF;
	_ =	strace $0x90000046  }
0xb1: {  	s29 =	simm.s32 $0x9;
	_ =	strace $0x80000048  }
0xb2: {  	_ =	swait.ge [sflag:s29], $0x1  }
0xb3: {  	[sflag:s29] =	ssyncadd.s32 $0xFFFFFFFF  }
0xb4: {  	_ =	strace $0x90000048  }
0xb5: {  	_ =	sfence  }
0xb6: {  	s30 =	sld [smem:$0x0];
	_ =	sdelay $0x2  }
0xb7: {  	s31 =	sshll.u32 s1, $0xD;
	s1 =	sshrl.u32 s1, $0x2  }
0xb8: {  	s3 =	sand.u32 $0x4000, s31;
	s1 =	sadd.s32 s1, s30  }
0xb9: {  	s0 =	sor.u32 s3, s0;
	s1 =	sshll.u32 s1, $0x11  }
0xba: {  	s0 =	sor.u32 s1, s0  }
0xbb: {  	s0 =	sadd.s32 $0x8F2B, s0  }
0xbc: {  	[sflag:s0] =	ssyncadd.remote.s32 $0x1  }
0xbd: {  	_ =	sfence.sel $0xFFFF  }
0xbe: {  	[dreg:$0x0] =	wrdreg $0xFFFFFFFF;
	(pc) =	sbr.abs _section_cstart, $3  }
0xbf: {  	[dreg:$0x1] =	wrdreg $0xFFFFFFFF  }
0xc0: {  	_ =	task.clear_ibuf [dreg:s6], $0x2FFFF;
	_ =	strace $0x9FFFFFFF  }
0xc1: {  	(tm) =	ssettm $0x7FFFFFFF  }
tec
execute0_lowered:
.L_overlay_start_1:
0x0: {  	(tag) =	ssettag $0x1  }
0x1: {  	s3 =	rddreg [dreg:$0x0];
	s2 =	srdreg.scid  }
0x2: {  	s0 =	rddreg [dreg:$0x1];
	s1 =	stileid.u32;
	s7 =	simm.s32 $0x1  }
0x3: {  	s8 =	simm.s32 $0x8000;
	s9 =	simm.s32 $0x10000;
	s4 =	sand.u32 $0x1, s2  }
0x4: {  	s10 =	simm.s32 $0x0;
	s5 =	sshll.u32 s1, $0xD;
	s6 =	sshll.u32 s4, $0xC  }
0x5: {  	v0 =	vlaneseq.u32;
	s2 =	simm.s32 $0x0;
	s4 =	ssub.s32 $0x2, s4;
	s5 =	sor.u32 s6, s5  }
0x6: {  	v4 =	vmul.u32 $0xFFFFFFFF, v0;
	[smem:$0x7FF] =	sst s2;
	s30 =	sshrl.u32 s4, $0x1;
	s5 =	sadd.s32 s5, s3  }
0x7: {  	vm0 =	vmmov $0xff;
	v5 =	vimm.f32 $0.0e+00;
	v1 =	vor.u32 $0x10, v0;
	_ =	strace $0x80000047;
	s31 =	ssub.s32 s4, s30;
	s3 =	sadd.s32 $0x2200, s5  }
0x8: {  	v2 =	vor.u32 $0x20, v0;
	v3 =	vor.u32 $0x30, v0;
	v4 =	vadd.s32 $0xF, v4;
	s4 =	sadd.s32 $0x42200, s5;
	s5 =	sadd.s32 $0x22200, s5;
	s6 =	smax.u32 s31, $0x1  }
.LBB2_1:
0x9: {  	[tilespmem:s2], [sflag:$0x1] =	stream.linear.gather [hbm4b:s3+s2], $0x8000, $0x38;
	[tilespmem:$0x18000] =	vst v63  }
0xa: {  	_ =	swait.ge [sflag:s7], $0x8000  }
0xb: {  	[sflag:s7] =	ssyncset.done $0x0  }
0xc: {  	s11 =	simm.s32 $0x100;
	[sflag:s7] =	ssyncadd.s32 $0xFFFF8000  }
0xd: {  	v6 =	vld [tilespmem:s11+$0x80]  }
0xe: {  	v7 =	vld [tilespmem:s11+$0x90]  }
0xf: {  	v8 =	vld [tilespmem:s11+$0x30]  }
0x10: {  	v9 =	vld [tilespmem:s11+$0xFFFFFF30]  }
0x11: {  	v10 =	vld [tilespmem:s11+$0xB0]  }
0x12: {  	v11 =	vld [tilespmem:s11+$0xFFFFFFB0];
	(xrf1) =	vsort.dscd.msk.f32 $0xffff, v6, v0  }
0x13: {  	v6 =	vld [tilespmem:s11+$0xA0];
	(xrf1) =	vsort.dscd.msk.f32 $0xffff, v7, v1  }
0x14: {  	(xrf1) =	vsort.dscd.msk.f32 $0xffff, v8, v3  }
0x15: {  	(xrf1) =	vsort.dscd.msk.f32 $0xffff, v9, v3  }
0x16: {  	v7 =	vld [tilespmem:s11+$0x0];
	(xrf1) =	vsort.dscd.msk.f32 $0xffff, v10, v3  }
0x17: {  	v8 =	vld [tilespmem:s11+$0x20];
	(xrf1) =	vsort.dscd.msk.f32 $0xffff, v11, v3  }
0x18: {  	v9 =	vld [tilespmem:s11+$0x10];
	(xrf1) =	vsort.dscd.msk.f32 $0xffff, v6, v2  }
0x19: {  	v6 =	vld [tilespmem:s11+$0xFFFFFFA0];
	_ =	sdelay $0x1  }
0x1a: {  	(xrf1) =	vsort.dscd.msk.f32 $0xffff, v7, v0;
	v7 =	vld [tilespmem:s11+$0xFFFFFF90]  }
0x1b: {  	(xrf1) =	vsort.dscd.msk.f32 $0xffff, v8, v2;
	v8 =	vld [tilespmem:s11+$0xFFFFFF20]  }
0x1c: {  	(xrf1) =	vsort.dscd.msk.f32 $0xffff, v9, v1;
	v9 =	vld [tilespmem:s11+$0xFFFFFF10]  }
0x1d: {  	v10 =	vld [tilespmem:s11+$0xFFFFFF80];
	(xrf1) =	vsort.dscd.msk.f32 $0xffff, v6, v2;
	_ =	sdelay $0x1  }
0x1e: {  	(xrf1) =	vsort.dscd.msk.f32 $0xffff, v7, v1;
	v6, v7, _ =	vpop (xrf1)  }
0x1f: {  	(xrf1) =	vsort.dscd.msk.f32 $0xffff, v8, v2;
	v8, v11, _ =	vpop (xrf1)  }
0x20: {  	(xrf1) =	vsort.dscd.msk.f32 $0xffff, v9, v1;
	v9, v12, _ =	vpop (xrf1)  }
0x21: {  	(xrf1) =	vsort.dscd.msk.f32 $0xffff, v10, v0;
	v10, v13, _ =	vpop (xrf1)  }
0x22: {  	v14, v15, _ =	vpop (xrf1)  }
0x23: {  	v16 =	vld [tilespmem:s11+$0xFFFFFF00];
	v11 =	vperm.xlane v11, v4;
	v17, v18, _ =	vpop (xrf1);
	v15 =	vperm.xlane v15, v4  }
0x24: {  	v8 =	vperm.xlane v8, v4;
	v14 =	vperm.xlane v14, v4;
	v19, v20, _ =	vpop (xrf1)  }
0x25: {  	v15 =	vsel vm0, v20, v15  }
0x26: {  	v14 =	vsel vm0, v19, v14  }
0x27: {  	v19, v20, _ =	vpop (xrf1);
	(xrf1) =	vsort.dscd.msk.f32 $0xffff, v14, v15  }
0x28: {  	v6 =	vsel vm0, v6, v8;
	v7 =	vsel vm0, v7, v11;
	v8, v11, _ =	vpop (xrf1);
	(xrf1) =	vsort.dscd.msk.f32 $0xffff, v16, v0  }
0x29: {  	v12 =	vperm.xlane v12, v4;
	(xrf1) =	vsort.dscd.msk.f32 $0xffff, v6, v7;
	v7 =	vperm.xlane v18, v4;
	v14, v15, _ =	vpop (xrf1)  }
0x2a: {  	v6 =	vperm.xlane v17, v4;
	v16, v17, _ =	vpop (xrf1)  }
0x2b: {  	v7 =	vsel vm0, v17, v7  }
0x2c: {  	v9 =	vperm.xlane v9, v4;
	v10 =	vperm.xlane v10, v4;
	v6 =	vsel vm0, v16, v6  }
0x2d: {  	v14 =	vperm.xlane v14, v4;
	v15 =	vperm.xlane v15, v4  }
0x2e: {  	s23 =	simm.s32 $0x300;
	v13 =	vperm.xlane v13, v4;
	v8 =	vsel vm0, v8, v9;
	v9 =	vsel vm0, v11, v12;
	v11, v12, _ =	vpop (xrf1)  }
0x2f: {  	v16 =	vld [tilespmem:s23+$0x80];
	v14 =	vsel vm0, v19, v14;
	v15 =	vsel vm0, v20, v15;
	(xrf1) =	vsort.dscd.msk.f32 $0xffff, v6, v7;
	v6, v7, _ =	vpop (xrf1)  }
0x30: {  	v11 =	vperm.xlane v11, v4;
	v12 =	vperm.xlane v12, v4;
	(xrf1) =	vsort.dscd.msk.f32 $0xffff, v8, v9;
	v8 =	vld [tilespmem:s23+$0x90];
	v17, v18, _ =	vpop (xrf1)  }
0x31: {  	v7 =	vsel vm0, v7, v13;
	v6 =	vsel vm0, v6, v10;
	(xrf1) =	vsort.dscd.msk.f32 $0xffff, v14, v15;
	v13 =	vld [tilespmem:s23+$0x30];
	v9, v10, _ =	vpop (xrf1)  }
0x32: {  	(xrf1) =	vsort.dscd.msk.f32 $0xffff, v6, v7;
	v6 =	vld [tilespmem:s23+$0xFFFFFF30];
	v9 =	vsel vm0, v9, v11;
	v10 =	vsel vm0, v10, v12  }
0x33: {  	v7 =	vld [tilespmem:s23+$0xB0];
	(xrf1) =	vsort.dscd.msk.f32 $0xffff, v9, v10  }
0x34: {  	v9 =	vld [tilespmem:s23+$0xFFFFFFB0];
	(xrf1) =	vsort.dscd.msk.f32 $0xffff, v16, v0  }
0x35: {  	v10 =	vld [tilespmem:s23+$0xA0];
	(xrf1) =	vsort.dscd.msk.f32 $0xffff, v8, v1  }
0x36: {  	(xrf1) =	vsort.dscd.msk.f32 $0xffff, v13, v3  }
0x37: {  	v8, v11, _ =	vpop (xrf1);
	(xrf1) =	vsort.dscd.msk.f32 $0xffff, v6, v3;
	v6 =	vld [tilespmem:s23+$0x0]  }
0x38: {  	v14 =	vld [tilespmem:s23+$0x20];
	v12, v13, _ =	vpop (xrf1);
	v8 =	vperm.xlane v8, v4;
	v11 =	vperm.xlane v11, v4;
	(xrf1) =	vsort.dscd.msk.f32 $0xffff, v7, v3  }
0x39: {  	v16 =	vld [tilespmem:s23+$0x10];
	v7, v15, _ =	vpop (xrf1);
	(xrf1) =	vsort.dscd.msk.f32 $0xffff, v9, v3  }
0x3a: {  	v9 =	vsel vm0, v15, v11;
	v7 =	vsel vm0, v7, v8;
	(xrf1) =	vsort.dscd.msk.f32 $0xffff, v10, v2  }
0x3b: {  	(xrf1) =	vsort.dscd.msk.f32 $0xffff, v7, v9  }
0x3c: {  	v7 =	vld [tilespmem:s23+$0xFFFFFFA0];
	(xrf1) =	vsort.dscd.msk.f32 $0xffff, v6, v0  }
0x3d: {  	v6, v8, _ =	vpop (xrf1);
	(xrf1) =	vsort.dscd.msk.f32 $0xffff, v14, v2  }
0x3e: {  	v9, v10, _ =	vpop (xrf1);
	(xrf1) =	vsort.dscd.msk.f32 $0xffff, v16, v1  }
0x3f: {  	v11 =	vld [tilespmem:s23+$0xFFFFFF90];
	v14, v15, _ =	vpop (xrf1)  }
0x40: {  	v16 =	vld [tilespmem:s23+$0xFFFFFF20];
	v19, v22, _ =	vpop (xrf1)  }
0x41: {  	v20 =	vld [tilespmem:s23+$0xFFFFFF10];
	v21, v23, _ =	vpop (xrf1);
	(xrf1) =	vsort.dscd.msk.f32 $0xffff, v7, v2  }
0x42: {  	v24 =	vld [tilespmem:s23+$0xFFFFFF80];
	v7, v25, _ =	vpop (xrf1)  }
0x43: {  	v26, v27, _ =	vpop (xrf1)  }
0x44: {  	v6 =	vperm.xlane v6, v4;
	(xrf1) =	vsort.dscd.msk.f32 $0xffff, v11, v1;
	v11, v28, _ =	vpop (xrf1)  }
0x45: {  	v9 =	vperm.xlane v9, v4;
	(xrf1) =	vsort.dscd.msk.f32 $0xffff, v16, v2;
	v16 =	vperm.xlane v18, v4;
	v18, v29, _ =	vpop (xrf1)  }
0x46: {  	v10 =	vperm.xlane v10, v4;
	v27 =	vperm.xlane v27, v4;
	(xrf1) =	vsort.dscd.msk.f32 $0xffff, v20, v1;
	v20, v30, _ =	vpop (xrf1)  }
0x47: {  	v26 =	vperm.xlane v26, v4;
	(xrf1) =	vsort.dscd.msk.f32 $0xffff, v24, v0;
	v24, v31, _ =	vpop (xrf1);
	v30 =	vperm.xlane v30, v4  }
0x48: {  	v9 =	vsel vm0, v14, v9;
	v10 =	vsel vm0, v15, v10;
	v20 =	vperm.xlane v20, v4;
	v14, v15, _ =	vpop (xrf1)  }
0x49: {  	v32 =	vperm.xlane v8, v4;
	v21 =	vsel vm0, v21, v6;
	v8, v6, _ =	vpop (xrf1)  }
0x4a: {  	v33 =	vld [tilespmem:s23+$0xFFFFFF00];
	v58, v34, _ =	vpop (xrf1)  }
0x4b: {  	v7 =	vsel vm0, v7, v26;
	v25 =	vsel vm0, v25, v27;
	v26, v27, _ =	vpop (xrf1)  }
0x4c: {  	v17 =	vperm.xlane v17, v4;
	v14 =	vsel vm0, v14, v20;
	v15 =	vsel vm0, v15, v30;
	v20, v30, _ =	vpop (xrf1)  }
0x4d: {  	(xrf1) =	vsort.dscd.msk.f32 $0xffff, v14, v15;
	v15 =	vperm.xlane v20, v4;
	v20 =	vperm.xlane v24, v4  }
0x4e: {  	v23 =	vsel vm0, v23, v32;
	v11 =	vperm.xlane v11, v4;
	v31 =	vperm.xlane v31, v4  }
0x4f: {  	v14 =	vperm.xlane v18, v4;
	v18 =	vperm.xlane v29, v4;
	(xrf1) =	vsort.dscd.msk.f32 $0xffff, v33, v0;
	v24, v29, _ =	vpop (xrf1)  }
0x50: {  	v28 =	vperm.xlane v28, v4;
	(xrf1) =	vsort.dscd.msk.f32 $0xffff, v9, v10;
	v10 =	vsel vm0, v24, v20  }
0x51: {  	v30 =	vperm.xlane v30, v4;
	(xrf1) =	vsort.dscd.msk.f32 $0xffff, v7, v25;
	v24 =	vsel vm0, v29, v31  }
0x52: {  	v9 =	vsel vm0, v26, v11;
	v7 =	vsel vm0, v27, v28;
	(xrf1) =	vsort.dscd.msk.f32 $0xffff, v21, v23;
	v11, v20, _ =	vpop (xrf1)  }
0x53: {  	v15 =	vsel vm0, v58, v15;
	v21 =	vsel vm0, v34, v30;
	(xrf1) =	vsort.dscd.msk.f32 $0xffff, v10, v24;
	v10, v23, _ =	vpop (xrf1)  }
0x54: {  	(xrf1) =	vsort.dscd.msk.f32 $0xffff, v9, v7;
	v11 =	vperm.xlane v11, v4;
	v20 =	vperm.xlane v20, v4;
	v24, v25, _ =	vpop (xrf1)  }
0x55: {  	(xrf1) =	vsort.dscd.msk.f32 $0xffff, v15, v21;
	v7 =	vsel vm0, v23, v18;
	v9 =	vsel vm0, v10, v14;
	v10, v14, _ =	vpop (xrf1)  }
0x56: {  	s24 =	simm.s32 $0x500;
	(xrf1) =	vsort.dscd.msk.f32 $0xffff, v9, v7;
	v10 =	vsel vm0, v10, v11;
	v11 =	vsel vm0, v14, v20  }
0x57: {  	v15 =	vld [tilespmem:s24+$0x80];
	v7 =	vsel vm0, v13, v16;
	v9 =	vsel vm0, v12, v17;
	(xrf1) =	vsort.dscd.msk.f32 $0xffff, v10, v11  }
0x58: {  	v12 =	vld [tilespmem:s24+$0x90];
	(xrf1) =	vsort.dscd.msk.f32 $0xffff, v9, v7  }
0x59: {  	v9 =	vld [tilespmem:s24+$0x30]  }
0x5a: {  	v10 =	vld [tilespmem:s24+$0xFFFFFF30]  }
0x5b: {  	(xrf0) =	vmax.scan.msk.f32 $0xffff, v8;
	v16 =	vld [tilespmem:s24+$0xB0]  }
0x5c: {  	v17 =	vld [tilespmem:s24+$0xFFFFFFB0];
	(xrf1) =	vsort.dscd.msk.f32 $0xffff, v15, v0;
	v11, v15, _ =	vpop (xrf1)  }
0x5d: {  	v18 =	vld [tilespmem:s24+$0xA0];
	(xrf1) =	vsort.dscd.msk.f32 $0xffff, v12, v1;
	v12, v14, _ =	vpop (xrf1)  }
0x5e: {  	v13, v7, _ =	vpop (xrf1);
	(xrf1) =	vsort.dscd.msk.f32 $0xffff, v9, v3  }
0x5f: {  	v15 =	vperm.xlane v15, v4;
	v20, v21, _ =	vpop (xrf1);
	(xrf1) =	vsort.dscd.msk.f32 $0xffff, v10, v3;
	v10 =	vld [tilespmem:s24+$0x0]  }
0x60: {  	v28 =	vld [tilespmem:s24+$0x20];
	v11 =	vperm.xlane v11, v4;
	v23, v9, _ =	vpop (xrf1);
	(xrf1) =	vsort.dscd.msk.f32 $0xffff, v16, v3  }
0x61: {  	v15 =	vsel vm0, v21, v15;
	v26, v27, _ =	vpop (xrf1);
	(xrf1) =	vsort.dscd.msk.f32 $0xffff, v17, v3  }
0x62: {  	v11 =	vsel vm0, v20, v11;
	v16 =	vld [tilespmem:s24+$0x10];
	v29, v30, _ =	vpop (xrf1);
	(xrf1) =	vsort.dscd.msk.f32 $0xffff, v18, v2  }
0x63: {  	v17, v31, _ =	vpop (xrf1);
	(xrf1) =	vsort.dscd.msk.f32 $0xffff, v11, v15  }
0x64: {  	s12 =	simm.s32 $0x8100;
	v18 =	vld [tilespmem:s24+$0xFFFFFFA0];
	v20, v21, _ =	vpop (xrf1);
	(xrf1) =	vsort.dscd.msk.f32 $0xffff, v10, v0  }
0x65: {  	[tilespmem:s12+$0x80] =	vst v5;
	v10 =	vperm.xlane v19, v4;
	v19 =	vperm.xlane v22, v4;
	v11, v15, _ =	vpop (xrf1);
	(xrf1) =	vsort.dscd.msk.f32 $0xffff, v28, v2;
	v28 =	vld [tilespmem:s24+$0xFFFFFF90]  }
0x66: {  	[tilespmem:s12+$0x90] =	vst v5;
	v22, v59, _ =	vpop (xrf1)  }
0x67: {  	[tilespmem:s12+$0xA0] =	vst v5;
	(xrf1) =	vsort.dscd.msk.f32 $0xffff, v16, v1;
	v10 =	vsel vm0, v22, v10;
	v16 =	vsel vm0, v59, v19  }
0x68: {  	[tilespmem:s12+$0xB0] =	vst v5;
	(xrf1) =	vsort.dscd.msk.f32 $0xffff, v10, v16  }
0x69: {  	[tilespmem:s12+$0x30] =	vst v5;
	v61, _, _ =	vpop (xrf0);
	(xrf1) =	vsort.dscd.msk.f32 $0xffff, v18, v2  }
0x6a: {  	[tilespmem:s12+$0x10] =	vst v5;
	v16, v22, _ =	vpop (xrf1);
	(xrf1) =	vsort.dscd.msk.f32 $0xffff, v28, v1;
	v28 =	vperm.xlane v29, v4;
	v29 =	vperm.xlane v30, v4  }
0x6b: {  	[tilespmem:s12+$0x0] =	vst v5;
	v33 =	vbroadcast v61, $0xF;
	v19 =	vld [tilespmem:s24+$0xFFFFFF20];
	v18, v60, _ =	vpop (xrf1)  }
0x6c: {  	[tilespmem:s12+$0x20] =	vst v5;
	(xrf0) =	vmax.scan.msk.f32 $0xffff, v13;
	v62, v35, _ =	vpop (xrf1)  }
0x6d: {  	v36 =	vld [tilespmem:s24+$0xFFFFFF10];
	[tilespmem:s12+$0xFFFFFF90] =	vst v5;
	v8 =	vsub.f32 v8, v33;
	v37, v38, _ =	vpop (xrf1)  }
0x6e: {  	[tilespmem:s12+$0xFFFFFFA0] =	vst v5;
	v26 =	vperm.xlane v26, v4;
	v30 =	vld [tilespmem:s24+$0xFFFFFF80];
	v17 =	vsel vm0, v17, v28;
	v28 =	vsel vm0, v31, v29;
	v29, v31, _ =	vpop (xrf1)  }
0x6f: {  	[tilespmem:s12+$0xFFFFFF80] =	vst v5;
	v29 =	vperm.xlane v29, v4;
	v39, v40, _ =	vpop (xrf1);
	v31 =	vperm.xlane v31, v4  }
0x70: {  	[tilespmem:s12+$0xFFFFFFB0] =	vst v5;
	v26 =	vsel vm0, v11, v26;
	(xrf1) =	vsort.dscd.msk.f32 $0xffff, v19, v2;
	v11 =	vperm.xlane v18, v4;
	v18, v41, _ =	vpop (xrf1)  }
0x71: {  	v63 =	vld [tilespmem:s24+$0xFFFFFF00];
	[tilespmem:s12+$0xFFFFFF00] =	vst v5;
	v18 =	vsel vm0, v18, v29;
	v29 =	vsel vm0, v41, v31  }
0x72: {  	[tilespmem:s12+$0xFFFFFF20] =	vst v5;
	v19 =	vperm.xlane v24, v4;
	v24 =	vperm.xlane v27, v4;
	v27, _, _ =	vpop (xrf0);
	(xrf1) =	vsort.dscd.msk.f32 $0xffff, v36, v1  }
0x73: {  	[tilespmem:s12+$0xFFFFFF30] =	vst v5;
	v44 =	vmul.f32 $1.442695020e+00, v8;
	(xrf1) =	vsort.dscd.msk.f32 $0xffff, v30, v0;
	v31, v8, _ =	vpop (xrf1)  }
0x74: {  	[tilespmem:s12+$0xFFFFFF10] =	vst v5;
	(xrf0) =	vmax.scan.msk.f32 $0xffff, v23;
	v30, v45, _ =	vpop (xrf1)  }
0x75: {  	s13 =	simm.s32 $0x180;
	v25 =	vperm.xlane v25, v4;
	v10 =	vand.u32 $0xFFFFFF80, v6;
	v46 =	vperm.xlane v35, v4;
	(xrf1) =	vsort.dscd.msk.f32 $0xffff, v18, v29;
	v18, v29, _ =	vpop (xrf1)  }
0x76: {  	v10 =	vadd.s32 s13, v10;
	s13 =	simm.s32 $0x8300;
	v15 =	vsel vm0, v15, v24;
	v24 =	vperm.xlane v60, v4;
	(xrf1) =	vsort.dscd.msk.f32 $0xffff, v63, v0;
	v47, v48, _ =	vpop (xrf1)  }
0x77: {  	[tilespmem:s13+$0xFFFFFF90] =	vst v5;
	v16 =	vsel vm0, v16, v11;
	v39 =	vperm.xlane v39, v4;
	v40 =	vperm.xlane v40, v4;
	v49, v11, _ =	vpop (xrf1)  }
0x78: {  	[tilespmem:s13+$0xFFFFFFA0] =	vst v5;
	v22 =	vsel vm0, v22, v24;
	v24 =	vperm.xlane v62, v4;
	(xrf1) =	vsort.dscd.msk.f32 $0xffff, v17, v28;
	v28, v50, _ =	vpop (xrf1)  }
0x79: {  	[tilespmem:s13+$0x30] =	vst v5;
	(xrf1) =	vsort.dscd.msk.f32 $0xffff, v16, v22;
	v22 =	vsel vm0, v28, v39;
	v28 =	vsel vm0, v50, v40  }
0x7a: {  	(erf) = vpow2.f32 v44;
	[tilespmem:s13+$0x80] =	vst v5;
	(xrf0) =	vmax.scan.msk.f32 $0xffff, v31;
	v17 =	vperm.xlane v47, v4;
	v16, _, _ =	vpop (xrf0)  }
0x7b: {  	(xrf1) =	vsort.dscd.msk.f32 $0xffff, v26, v15;
	v15 =	vbroadcast v16, $0xF;
	v16 =	vsel vm0, v18, v24;
	v18 =	vsel vm0, v29, v46  }
0x7c: {  	[tilespmem:s13+$0x10] =	vst v5;
	v35 =	vperm.xlane v48, v4;
	v24 =	vperm.xlane v38, v4;
	(xrf1) =	vsort.dscd.msk.f32 $0xffff, v22, v28  }
0x7d: {  	v14 =	vsel vm0, v14, v25;
	[tilespmem:s13+$0x90] =	vst v5;
	v22 =	vperm.xlane v37, v4;
	(xrf1) =	vsort.dscd.msk.f32 $0xffff, v16, v18;
	v26, v28, _ =	vpop (xrf1)  }
0x7e: {  	(xrf0) =	vmax.scan.msk.f32 $0xffff, v49;
	v15 =	vsub.f32 v23, v15;
	v16 =	vsel vm0, v30, v17;
	v17 =	vsel vm0, v45, v35;
	v18, v23, _ =	vpop (xrf1)  }
0x7f: {  	[tilespmem:s13+$0xA0] =	vst v5;
	(xrf1) =	vsort.dscd.msk.f32 $0xffff, v16, v17;
	v23 =	vsel vm0, v23, v24;
	v18 =	vsel vm0, v18, v22  }
0x80: {  	s18 =	simm.s32 $0x700;
	[tilespmem:s13+$0xB0] =	vst v5;
	v22 =	vperm.xlane v26, v4;
	v24, v26, _ =	vpop (xrf1);
	(xrf1) =	vsort.dscd.msk.f32 $0xffff, v18, v23;
	v23 =	vperm.xlane v28, v4  }
0x81: {  	[tilespmem:s13+$0xFFFFFF00] =	vst v5;
	v27 =	vbroadcast v27, $0xF;
	v29 =	vld [tilespmem:s18+$0x80];
	v18 =	vsel vm0, v12, v19;
	v12 =	vmul.f32 $1.442695020e+00, v15;
	v28, v30, _ =	vpop (xrf1)  }
0x82: {  	s26 =	simm.s32 $0x80;
	v51 =	vld [tilespmem:s18+$0x90];
	[tilespmem:s13+$0xFFFFFF80] =	vst v5;
	v16, _, _ =	vpop (xrf0);
	v15 =	vand.u32 $0xFFFFFF80, v9;
	v22 =	vsel vm0, v28, v22;
	v23 =	vsel vm0, v30, v23  }
0x83: {  	s28 =	simm.s32 $0x380;
	[tilespmem:s13+$0x0] =	vst v5;
	v19 =	vadd.s32 s26, v15;
	v15 =	vand.u32 $0xFFFFFF80, v8;
	v30, v52, _ =	vpop (xrf1);
	(xrf1) =	vsort.dscd.msk.f32 $0xffff, v22, v23  }
0x84: {  	v54 =	vld [tilespmem:s18+$0x30];
	(erf) = vpow2.f32 v12;
	v12 =	vadd.s32 s28, v15;
	v15 =	vbroadcast v16, $0xF;
	v16, v53, _ =	vpop (xrf1);
	(xrf1) =	vsort.dscd.msk.f32 $0xffff, v18, v14  }
0x85: {  	[tilespmem:s13+$0x20] =	vst v5;
	v23 =	vsub.f32 v13, v27;
	v27, _, _ =	vpop (xrf0);
	v14 =	vperm.xlane v26, v4  }
0x86: {  	v55 =	vld [tilespmem:s18+$0xFFFFFF30];
	[tilespmem:s13+$0xFFFFFFB0] =	vst v5;
	v28 =	vsub.f32 v31, v15;
	v15 =	vbroadcast v27, $0xF;
	(xrf1) =	vsort.dscd.msk.f32 $0xffff, v29, v0  }
0x87: {  	[tilespmem:s13+$0xFFFFFF20] =	vst v5;
	v17 =	vand.u32 $0xFFFFFF80, v7;
	v26, v13, _ =	vpop (xrf1);
	(xrf1) =	vsort.dscd.msk.f32 $0xffff, v51, v1  }
0x88: {  	v56 =	vld [tilespmem:s18+$0xB0];
	v25 =	vpop (erf);
	v24 =	vperm.xlane v24, v4;
	(xrf0) =	vmax.scan.msk.f32 $0xffff, v26;
	v23 =	vmul.f32 $1.442695020e+00, v23;
	v15 =	vsub.f32 v49, v15  }
0x89: {  	s29 =	simm.s32 $0x0;
	v22 =	vand.u32 $0xFFFFFF80, v11;
	v42 =	vperm.xlane v30, v4;
	v30 =	vperm.xlane v52, v4;
	v31 =	vld [tilespmem:s18+$0xFFFFFFB0];
	v57, v29, _ =	vpop (xrf1);
	(xrf1) =	vsort.dscd.msk.f32 $0xffff, v54, v3  }
0x8a: {  	v58 =	vld [tilespmem:s18+$0xA0];
	[tilespmem:s13+$0xFFFFFF30] =	vst v5;
	v18 =	vadd.s32 s29, v22;
	v22 =	vsel vm0, v53, v14;
	(erf) = vpow2.f32 v23;
	v27, v14, _ =	vpop (xrf1)  }
0x8b: {  	s25 =	simm.s32 $0x100;
	s30 =	simm.s32 $0x300;
	v24 =	vsel vm0, v16, v24;
	v16 =	vand.u32 $0xFFFFFF80, v13;
	v61 =	vmul.f32 $1.442695020e+00, v15;
	v60, v59, _ =	vpop (xrf1);
	(xrf1) =	vsort.dscd.msk.f32 $0xffff, v55, v3  }
0x8c: {  	[tilespmem:s13+$0xFFFFFF10] =	vst v5;
	v17 =	vadd.s32 s25, v17;
	v16 =	vadd.s32 s30, v16;
	v15, v36, _ =	vpop (xrf1)  }
0x8d: {  	v41 =	vld [tilespmem:s18+$0x0];
	v30 =	vsel vm0, v29, v30;
	(xrf1) =	vsort.dscd.msk.f32 $0xffff, v56, v3;
	v63 =	vpop (erf);
	(erf) = vpow2.f32 v61;
	v23 =	vperm.xlane v15, v4  }
0x8e: {  	s31 =	simm.s32 $0x280;
	s17 =	simm.s32 $0x10100;
	v40 =	vld [tilespmem:s18+$0x20];
	v38 =	vsel vm0, v57, v42;
	v62 =	vand.u32 $0xFFFFFF80, v14;
	(xrf1) =	vsort.dscd.msk.f32 $0xffff, v31, v3;
	v43 =	vperm.xlane v36, v4;
	v31, v44, _ =	vpop (xrf1)  }
0x8f: {  	s16 =	simm.s32 $0x8;
	s19 =	simm.s32 $0x10;
	s15 =	simm.s32 $0x200;
	v39 =	vld [tilespmem:s18+$0xFFFFFFA0];
	v37 =	vperm.xlane v60, v4;
	v32, _, _ =	vpop (xrf0);
	(xrf1) =	vsort.dscd.msk.f32 $0xffff, v58, v2;
	v31 =	vsel vm0, v31, v23;
	v23 =	vnsel vm0, $0x0, v63  }
0x90: {  	s14 =	simm.s32 $0x10300;
	s12 =	simm.s32 $0xC;
	s11 =	simm.s32 $0x10300;
	v29 =	vld [tilespmem:s18+$0x10];
	v15 =	vadd.s32 s31, v62;
	v36 =	vperm.xlane v59, v4;
	v35, v34, _ =	vpop (xrf1);
	v33 =	vsel vm0, v44, v43;
	(xrf2) =	vadd.scan.msk.f32 $0xffff, v23  }
.LBB2_2:
0x91: {  	p0 =	slt.u32 s19, $0xFC;
	v45, v43, _ =	vpop (xrf1);
	(xrf1) =	vsort.dscd.msk.f32 $0xffff, v38, v30;
	s13 =	sadd.s32 $0x200, s13;
	s11 =	sadd.s32 $0x200, s11  }
0x92: {  	s20 =	smov.u32 s19;
	s19 =	sadd.s32 $0x4, s19;
	v44 =	vld [tilespmem:s18+$0xFFFFFF90];
	v37 =	vsel vm0, v45, v37;
	v38 =	vsel vm0, v43, v36;
	[tilespmem:s13+$0xFFFFFF90] =	vst v5;
	v30, v42, _ =	vpop (xrf1);
	(xrf0) =	vmax.scan.msk.f32 $0xffff, v27  }
0x93: {  	v28 =	vmul.f32 $1.442695020e+00, v28;
	v43 =	vld [tilespmem:s18+$0xFFFFFF20];
	(xrf1) =	vsort.dscd.msk.f32 $0xffff, v41, v0;
	[tilespmem:s13+$0xFFFFFFA0] =	vst v5;
	v36 =	vpop (erf)  }
0x94: {  	v20 =	vperm.xlane v20, v4;
	v21 =	vperm.xlane v21, v4;
	(xrf1) =	vsort.dscd.msk.f32 $0xffff, v40, v2;
	v40, v41, _ =	vpop (xrf1);
	v36 =	vnsel vm0, $0x0, v36  }
0x95: {  	v45 =	vld [tilespmem:s18+$0xFFFFFF80];
	(xrf1) =	vsort.dscd.msk.f32 $0xffff, v29, v1;
	v46, v47, _ =	vpop (xrf1);
	[tilespmem:s13+$0x30] =	vst v5;
	(erf) = vpow2.f32 v28;
	v29 =	vnsel vm0, $0x0, v25  }
0x96: {  	v49 =	vsel vm0, v30, v20;
	v48 =	vsel vm0, v42, v21;
	[tilespmem:s13+$0x80] =	vst v5;
	v25 =	vpop (erf);
	(xrf2) =	vadd.scan.msk.f32 $0xffff, v36  }
0x97: {  	v28 =	vperm.xlane v46, v4;
	v42, v46, _ =	vpop (xrf1);
	[tilespmem:s13+$0x10] =	vst v5;
	(xrf1) =	vsort.dscd.msk.f32 $0xffff, v49, v48;
	v30 =	vnsel vm0, $0x0, v25  }
0x98: {  	v20 =	vmov v35;
	v48 =	vperm.xlane v47, v4;
	(xrf1) =	vsort.dscd.msk.f32 $0xffff, v39, v2;
	[tilespmem:s13+$0x90] =	vst v5;
	v21, _, _ =	vpop (xrf0)  }
0x99: {  	v28 =	vsel vm0, v40, v28;
	v35 =	vld [tilespmem:s18+$0xFFFFFF10];
	v39, v40, _ =	vpop (xrf1);
	[tilespmem:s13+$0xA0] =	vst v5;
	v47 =	vbroadcast v21, $0xF;
	v21 =	vmov v34  }
0x9a: {  	v41 =	vsel vm0, v41, v48;
	[tilespmem:s13+$0xB0] =	vst v5;
	v25, _, _ =	vpop (xrf2);
	(xrf2) =	vadd.scan.msk.f32 $0xffff, v29  }
0x9b: {  	v42 =	vperm.xlane v42, v4;
	(xrf1) =	vsort.dscd.msk.f32 $0xffff, v44, v1;
	v34, v44, _ =	vpop (xrf1);
	v27 =	vsub.f32 v27, v47;
	v47 =	vbroadcast v25, $0xF  }
0x9c: {  	v48 =	vld [tilespmem:s18+$0xFFFFFF00];
	v52 =	vperm.xlane v34, v4;
	v49, v50, _ =	vpop (xrf1);
	[tilespmem:s13+$0xFFFFFF00] =	vst v5  }
0x9d: {  	v53 =	vperm.xlane v44, v4;
	v44, v51, _ =	vpop (xrf1);
	[tilespmem:s13+$0xFFFFFF80] =	vst v5;
	(xrf2) =	vadd.scan.msk.f32 $0xffff, v30  }
0x9e: {  	v46 =	vperm.xlane v46, v4;
	v44 =	vsel vm0, v44, v52;
	(xrf1) =	vsort.dscd.msk.f32 $0xffff, v43, v2;
	[tilespmem:s13+$0x0] =	vst v5;
	v25 =	vpop (erf)  }
0x9f: {  	s21 =	sshll.u32 s16, $0x7;
	s16 =	smov.u32 s12;
	s12 =	smov.u32 s20;
	v43 =	vsel vm0, v51, v53;
	(xrf1) =	vsort.dscd.msk.f32 $0xffff, v35, v1;
	[tilespmem:s13+$0x20] =	vst v5;
	v35, v34, _ =	vpop (xrf1);
	(erf) = vrcp.f32 v47  }
0xa0: {  	s20 =	sadd.s32 $0x180, s21;
	(xrf1) =	vsort.dscd.msk.f32 $0xffff, v45, v0;
	[tilespmem:s13+$0xFFFFFFB0] =	vst v5;
	v54 =	vand.u32 $0xFFFFFF80, v34;
	v47, _, _ =	vpop (xrf2)  }
0xa1: {  	v51, v52, _ =	vpop (xrf1);
	(xrf1) =	vsort.dscd.msk.f32 $0xffff, v44, v43;
	[tilespmem:s13+$0xFFFFFF20] =	vst v5;
	v43 =	vadd.s32 s20, v54  }
0xa2: {  	v44, v45, _ =	vpop (xrf1);
	[tilespmem:s13+$0xFFFFFF30] =	vst v5  }
0xa3: {  	v60 =	vbroadcast v32, $0xF;
	v39 =	vperm.xlane v39, v4;
	v54 =	vand.u32 $0x7F, v7;
	(xrf1) =	vsort.dscd.msk.f32 $0xffff, v48, v0;
	v48, v53, _ =	vpop (xrf1)  }
0xa4: {  	v55 =	vand.u32 $0x7F, v9;
	v47 =	vbroadcast v47, $0xF;
	v48 =	vperm.xlane v48, v4;
	(xrf0) =	vmax.scan.msk.f32 $0xffff, v35;
	v56, _, _ =	vpop (xrf2)  }
0xa5: {  	v57 =	vsub.f32 v26, v60;
	v40 =	vperm.xlane v40, v4;
	[tilespmem:s13+$0xFFFFFF10] =	vst v5;
	v58, v32, _ =	vpop (xrf1);
	v26 =	vbroadcast v56, $0xF  }
0xa6: {  	v19 =	vor.u32 v55, v19;
	v60 =	vand.u32 $0x7F, v11;
	v49 =	vperm.xlane v49, v4;
	v56, v59, _ =	vpop (xrf1)  }
0xa7: {  	v42 =	vsel vm0, v44, v42;
	v53 =	vperm.xlane v53, v4;
	v44, _, _ =	vpop (xrf2);
	(erf) = vrcp.f32 v47  }
0xa8: {  	v47 =	vsel vm0, v56, v49;
	v49 =	vperm.xlane v50, v4;
	(xrf1) =	vsort.dscd.msk.f32 $0xffff, v31, v33;
	v31 =	vbroadcast v44, $0xF;
	v33 =	vpop (erf)  }
0xa9: {  	v44 =	vsel vm0, v45, v46;
	v45, v46, _ =	vpop (xrf1);
	(xrf1) =	vsort.dscd.msk.f32 $0xffff, v28, v41;
	v28 =	vand.u32 $0xFFFFFF80, v32;
	v23 =	vmul.f32 v33, v23  }
0xaa: {  	v49 =	vsel vm0, v59, v49;
	(xrf1) =	vsort.dscd.msk.f32 $0xffff, v37, v38;
	v37, _, _ =	vpop (xrf0);
	v38 =	vadd.s32 s15, v28;
	(erf) = vrcp.f32 v26;
	s15 =	smov.u32 s21  }
0xab: {  	v26 =	vsel vm0, v51, v48;
	v28 =	vsel vm0, v52, v53;
	(xrf1) =	vsort.dscd.msk.f32 $0xffff, v47, v49;
	(erf) = vrcp.f32 v31  }
0xac: {  	v31 =	vperm.xlane v45, v4;
	v45 =	vor.u32 v60, v18;
	v33, v41, _ =	vpop (xrf1);
	(xrf0) =	vmax.scan.msk.f32 $0xffff, v58;
	[tilespmem:v19+s8+$0x0] =	vst.idx.msk $0xff, v23  }
0xad: {  	s18 =	sadd.s32 $0x200, s18;
	v19 =	vperm.xlane v46, v4;
	v18 =	vsel vm0, v41, v40;
	v23, v40, _ =	vpop (xrf1);
	(xrf1) =	vsort.dscd.msk.f32 $0xffff, v42, v44;
	[tilespmem:s17+$0xFFFFFF80] =	vst v9  }
0xae: {  	v47 =	vand.u32 $0x7F, v6;
	v33 =	vsel vm0, v33, v39;
	v42 =	vor.u32 v54, v17;
	v9 =	vld [tilespmem:s18+$0x80];
	v46, v41, _ =	vpop (xrf1)  }
0xaf: {  	v44 =	vld [tilespmem:s18+$0x90];
	v31 =	vsel vm0, v46, v31;
	v19 =	vsel vm0, v41, v19;
	(xrf1) =	vsort.dscd.msk.f32 $0xffff, v26, v28;
	v26, v39, _ =	vpop (xrf1);
	v28 =	vbroadcast v37, $0xF  }
0xb0: {  	v37 =	vld [tilespmem:s18+$0xA0];
	(xrf1) =	vsort.dscd.msk.f32 $0xffff, v33, v18;
	v33 =	vor.u32 v47, v10;
	v17 =	vpop (erf);
	v10 =	vmov v12;
	v12 =	vmov v43  }
0xb1: {  	v27 =	vmul.f32 $1.442695020e+00, v27;
	v43 =	vld [tilespmem:s18+$0xB0];
	v41, v46, _ =	vpop (xrf1);
	v28 =	vsub.f32 v35, v28;
	v35 =	vmul.f32 v17, v36  }
0xb2: {  	v40 =	vperm.xlane v40, v4;
	v18 =	vmov v38;
	v17 =	vmov v16;
	v36 =	vld [tilespmem:s18+$0x30];
	(xrf1) =	vsort.dscd.msk.f32 $0xffff, v31, v19;
	v19, _, _ =	vpop (xrf0)  }
0xb3: {  	v47 =	vperm.xlane v23, v4;
	v31 =	vld [tilespmem:s18+$0xFFFFFFB0];
	(xrf1) =	vsort.dscd.msk.f32 $0xffff, v24, v22;
	(erf) = vpow2.f32 v27;
	[tilespmem:v42+s8+$0x0] =	vst.idx.msk $0xff, v35;
	v22 =	vpop (erf)  }
0xb4: {  	v38 =	vperm.xlane v26, v4;
	v23 =	vld [tilespmem:s18+$0xFFFFFF30];
	[tilespmem:s17+$0x0] =	vst v7;
	v24 =	vmul.f32 v22, v29;
	v26 =	vpop (erf);
	v7 =	vmov v13  }
0xb5: {  	v22 =	vsel vm0, v46, v40;
	(xrf1) =	vsort.dscd.msk.f32 $0xffff, v9, v0;
	v29 =	vmul.f32 v26, v30;
	v9 =	vmov v14  }
0xb6: {  	v39 =	vperm.xlane v39, v4;
	v19 =	vbroadcast v19, $0xF;
	(xrf1) =	vsort.dscd.msk.f32 $0xffff, v44, v1;
	v26, v13, _ =	vpop (xrf1);
	[tilespmem:v33+s8+$0x0] =	vst.idx.msk $0xff, v24  }
0xb7: {  	s20 =	sadd.s32 $0x100, s15;
	v24 =	vsel vm0, v41, v47;
	v33 =	vmul.f32 $1.442695020e+00, v57;
	v42, v16, _ =	vpop (xrf1);
	v40 =	vand.u32 $0xFFFFFF80, v13;
	[tilespmem:s17+$0x80] =	vst v6  }
0xb8: {  	v46 =	vsub.f32 v58, v19;
	(xrf1) =	vsort.dscd.msk.f32 $0xffff, v36, v3;
	v30 =	vsel vm0, v16, v39;
	v16 =	vadd.s32 s20, v40;
	v27, v14, _ =	vpop (xrf1)  }
0xb9: {  	s20 =	sadd.s32 $0x80, s15;
	v44, v35, _ =	vpop (xrf1);
	v41 =	vand.u32 $0xFFFFFF80, v14;
	(xrf0) =	vmax.scan.msk.f32 $0xffff, v26;
	(erf) = vpow2.f32 v33;
	[tilespmem:v45+s8+$0x0] =	vst.idx.msk $0xff, v29  }
0xba: {  	v47 =	vmul.f32 $1.442695020e+00, v46;
	v6 =	vmovc v8;
	v29 =	vld [tilespmem:s18+$0x10];
	(xrf1) =	vsort.dscd.msk.f32 $0xffff, v23, v3;
	v23 =	vadd.s32 s20, v41;
	[tilespmem:s17+$0xFFFFFF00] =	vst v11;
	s17 =	smov.u32 s14;
	s14 =	smov.u32 s11  }
.Ltmp0:
0xbb: {  	v8 =	vmov v34;
	v19 =	vmov v15;
	v11 =	vmov v32;
	v40 =	vld [tilespmem:s18+$0x20];
	v36, v39, _ =	vpop (xrf1);
	(pc) =	sbr.rel @p0 .LBB2_2-.Ltmp0, $4  }
0xbc: {  	v15 =	vmov v23;
	v41 =	vld [tilespmem:s18+$0x0];
	(xrf1) =	vsort.dscd.msk.f32 $0xffff, v43, v3;
	v46 =	vperm.xlane v36, v4;
	(erf) = vpow2.f32 v47;
	v33 =	vpop (erf)  }
0xbd: {  	v43 =	vperm.xlane v39, v4;
	(xrf1) =	vsort.dscd.msk.f32 $0xffff, v31, v3;
	v23, v45, _ =	vpop (xrf1)  }
0xbe: {  	v36 =	vperm.xlane v35, v4;
	v39 =	vld [tilespmem:s18+$0xFFFFFFA0];
	(xrf1) =	vsort.dscd.msk.f32 $0xffff, v37, v2;
	v31 =	vsel vm0, v23, v46;
	v35, v34, _ =	vpop (xrf1);
	v23 =	vnsel vm0, $0x0, v33  }
0xbf: {  	v38 =	vsel vm0, v42, v38;
	v37 =	vperm.xlane v44, v4;
	v33 =	vsel vm0, v45, v43;
	v32, _, _ =	vpop (xrf0);
	(xrf2) =	vadd.scan.msk.f32 $0xffff, v23  }
0xc0: {  	_ = 	snop  }
0xc1: {  	(xrf1) =	vsort.dscd.msk.f32 $0xffff, v38, v30;
	v38, v42, _ =	vpop (xrf1)  }
0xc2: {  	v20 =	vperm.xlane v20, v4;
	v21 =	vperm.xlane v21, v4;
	(xrf1) =	vsort.dscd.msk.f32 $0xffff, v41, v0;
	v53, v54, _ =	vpop (xrf1)  }
0xc3: {  	(xrf1) =	vsort.dscd.msk.f32 $0xffff, v40, v2;
	v45 =	vpop (erf)  }
0xc4: {  	v55 =	vld [tilespmem:s18+$0xFFFFFF90];
	v20 =	vsel vm0, v53, v20;
	v21 =	vsel vm0, v54, v21;
	v43, v44, _ =	vpop (xrf1);
	(xrf1) =	vsort.dscd.msk.f32 $0xffff, v29, v1  }
0xc5: {  	v56 =	vld [tilespmem:s18+$0xFFFFFF20];
	v30 =	vnsel vm0, $0x0, v45;
	v41, v46, _ =	vpop (xrf1);
	(xrf1) =	vsort.dscd.msk.f32 $0xffff, v20, v21  }
0xc6: {  	v57 =	vld [tilespmem:s18+$0xFFFFFF10];
	(xrf2) =	vadd.scan.msk.f32 $0xffff, v30  }
0xc7: {  	v58 =	vld [tilespmem:s18+$0xFFFFFF80]  }
0xc8: {  	v45, v47, _ =	vpop (xrf1);
	(xrf1) =	vsort.dscd.msk.f32 $0xffff, v39, v2  }
0xc9: {  	v48, v49, _ =	vpop (xrf1);
	(xrf1) =	vsort.dscd.msk.f32 $0xffff, v55, v1  }
0xca: {  	v59, v50, _ =	vpop (xrf1);
	(xrf1) =	vsort.dscd.msk.f32 $0xffff, v56, v2  }
0xcb: {  	v51, v52, _ =	vpop (xrf1);
	(xrf1) =	vsort.dscd.msk.f32 $0xffff, v57, v1  }
0xcc: {  	v60 =	vperm.xlane v59, v4;
	v61 =	vperm.xlane v50, v4;
	v62, v63, _ =	vpop (xrf1);
	(xrf1) =	vsort.dscd.msk.f32 $0xffff, v58, v0  }
0xcd: {  	v28 =	vmul.f32 $1.442695020e+00, v28;
	v39 =	vpop (erf)  }
0xce: {  	(xrf0) =	vmax.scan.msk.f32 $0xffff, v27;
	v54, _, _ =	vpop (xrf2);
	v57 =	vld [tilespmem:s18+$0xFFFFFF00];
	v40 =	vsel vm0, v62, v60;
	v29 =	vsel vm0, v63, v61  }
0xcf: {  	(erf) = vpow2.f32 v28;
	v28 =	vnsel vm0, $0x0, v25;
	v45 =	vperm.xlane v45, v4;
	v25, v20, _ =	vpop (xrf1);
	(xrf1) =	vsort.dscd.msk.f32 $0xffff, v40, v29  }
0xd0: {  	(xrf2) =	vadd.scan.msk.f32 $0xffff, v28;
	v59 =	vbroadcast v54, $0xF;
	v58 =	vperm.xlane v41, v4;
	v29 =	vnsel vm0, $0x0, v39;
	v63, _, _ =	vpop (xrf2)  }
0xd1: {  	v37 =	vsel vm0, v38, v37;
	v51 =	vperm.xlane v51, v4;
	v52 =	vperm.xlane v52, v4;
	v41, v50, _ =	vpop (xrf1);
	(xrf2) =	vadd.scan.msk.f32 $0xffff, v29  }
0xd2: {  	v60 =	vperm.xlane v46, v4;
	(erf) = vrcp.f32 v59;
	v59 =	vsel vm0, v42, v36;
	(xrf0) =	vmax.scan.msk.f32 $0xffff, v25;
	v46, v54, _ =	vpop (xrf1)  }
0xd3: {  	v40 =	vsel vm0, v43, v58;
	v43 =	vperm.xlane v47, v4;
	(xrf1) =	vsort.dscd.msk.f32 $0xffff, v57, v0;
	v62, v61, _ =	vpop (xrf1)  }
0xd4: {  	v38 =	vsel vm0, v44, v60;
	v57 =	vperm.xlane v48, v4;
	v55, v21, _ =	vpop (xrf1);
	(xrf1) =	vsort.dscd.msk.f32 $0xffff, v31, v33  }
0xd5: {  	v53, _, _ =	vpop (xrf0);
	v60 =	vbroadcast v63, $0xF;
	v63 =	vsel vm0, v46, v45;
	v39 =	vperm.xlane v61, v4;
	(xrf1) =	vsort.dscd.msk.f32 $0xffff, v40, v38  }
0xd6: {  	v58 =	vperm.xlane v62, v4;
	v62 =	vperm.xlane v49, v4;
	v36, v42, _ =	vpop (xrf1);
	(xrf1) =	vsort.dscd.msk.f32 $0xffff, v37, v59  }
0xd7: {  	(xrf0) =	vmax.scan.msk.f32 $0xffff, v55;
	v39 =	vsel vm0, v50, v39;
	v36 =	vsel vm0, v36, v51;
	v61 =	vsel vm0, v42, v52;
	v49, v46, _ =	vpop (xrf1)  }
0xd8: {  	v51 =	vsel vm0, v54, v43;
	v52 =	vsel vm0, v41, v58;
	(xrf1) =	vsort.dscd.msk.f32 $0xffff, v36, v61;
	v56, v54, _ =	vpop (xrf1)  }
0xd9: {  	v33 =	vperm.xlane v49, v4;
	v42 =	vperm.xlane v46, v4;
	(xrf1) =	vsort.dscd.msk.f32 $0xffff, v63, v51;
	v45, v46, _ =	vpop (xrf1)  }
0xda: {  	(xrf1) =	vsort.dscd.msk.f32 $0xffff, v52, v39;
	v31 =	vsel vm0, v54, v62;
	v57 =	vsel vm0, v56, v57;
	v58, v59, _ =	vpop (xrf1)  }
0xdb: {  	v38 =	vpop (erf);
	(xrf1) =	vsort.dscd.msk.f32 $0xffff, v57, v31;
	v33 =	vsel vm0, v58, v33;
	v61 =	vsel vm0, v59, v42  }
0xdc: {  	(erf) = vrcp.f32 v60;
	v60, _, _ =	vpop (xrf2);
	v51 =	vbroadcast v53, $0xF;
	(xrf1) =	vsort.dscd.msk.f32 $0xffff, v33, v61  }
0xdd: {  	v50, v63, _ =	vpop (xrf1);
	(xrf1) =	vsort.dscd.msk.f32 $0xffff, v24, v22  }
0xde: {  	v37, _, _ =	vpop (xrf0);
	v22 =	vsub.f32 v27, v51  }
0xdf: {  	v40 =	vpop (erf);
	v53 =	vbroadcast v32, $0xF  }
0xe0: {  	v62, _, _ =	vpop (xrf2)  }
0xe1: {  	v56, _, _ =	vpop (xrf0);
	v26 =	vsub.f32 v26, v53  }
0xe2: {  	v52 =	vbroadcast v60, $0xF;
	v31 =	vbroadcast v62, $0xF;
	v41, v43, _ =	vpop (xrf1)  }
0xe3: {  	v26 =	vmul.f32 $1.442695020e+00, v26;
	v54 =	vmul.f32 $1.442695020e+00, v22;
	v27, v22, _ =	vpop (xrf1)  }
0xe4: {  	(erf) = vrcp.f32 v52;
	v58, v57, _ =	vpop (xrf1)  }
0xe5: {  	(erf) = vrcp.f32 v31;
	v47, v24, _ =	vpop (xrf1)  }
0xe6: {  	(erf) = vpow2.f32 v54;
	v48, v49, _ =	vpop (xrf1)  }
0xe7: {  	v33 =	vperm.xlane v50, v4;
	(erf) = vpow2.f32 v26;
	v26, v50, _ =	vpop (xrf1)  }
0xe8: {  	v32 =	vbroadcast v56, $0xF;
	v51, v52, _ =	vpop (xrf1)  }
0xe9: {  	v36 =	vperm.xlane v63, v4;
	v53, v54, _ =	vpop (xrf1)  }
0xea: {  	v60 =	vperm.xlane v34, v4;
	v59 =	vperm.xlane v35, v4;
	v32 =	vsub.f32 v55, v32;
	v55, v56, _ =	vpop (xrf1)  }
0xeb: {  	v36 =	vsel vm0, v57, v36;
	v31 =	vsel vm0, v58, v33;
	v62, v61, _ =	vpop (xrf1)  }
0xec: {  	v32 =	vmul.f32 $1.442695020e+00, v32;
	(xrf1) =	vsort.dscd.msk.f32 $0xffff, v31, v36;
	v31 =	vsel vm0, v62, v59;
	v63 =	vsel vm0, v61, v60  }
0xed: {  	(xrf1) =	vsort.dscd.msk.f32 $0xffff, v31, v63  }
0xee: {  	v39 =	vpop (erf);
	(erf) = vpow2.f32 v32  }
0xef: {  	v44 =	vpop (erf)  }
0xf0: {  	v42 =	vpop (erf)  }
0xf1: {  	v35 =	vpop (erf)  }
0xf2: {  	v35 =	vnsel vm0, $0x0, v35  }
0xf3: {  	v36 =	vpop (erf);
	(xrf2) =	vadd.scan.msk.f32 $0xffff, v35  }
0xf4: {  	(xrf0) =	vmax.scan.msk.f32 $0xffff, v27;
	v34 =	vnsel vm0, $0x0, v36  }
0xf5: {  	v33 =	vnsel vm0, $0x0, v38;
	v26 =	vperm.xlane v26, v4;
	(xrf2) =	vadd.scan.msk.f32 $0xffff, v34  }
0xf6: {  	v59 =	vperm.xlane v50, v4;
	(xrf2) =	vadd.scan.msk.f32 $0xffff, v33  }
0xf7: {  	v26 =	vsel vm0, v51, v26;
	v38 =	vpop (erf)  }
0xf8: {  	v57 =	vbroadcast v37, $0xF;
	(xrf0) =	vmax.scan.msk.f32 $0xffff, v47;
	v32 =	vnsel vm0, $0x0, v38;
	v37 =	vsel vm0, v52, v59  }
0xf9: {  	(xrf2) =	vadd.scan.msk.f32 $0xffff, v32  }
0xfa: {  	v61 =	vperm.xlane v48, v4;
	v31 =	vsub.f32 v25, v57;
	(xrf1) =	vsort.dscd.msk.f32 $0xffff, v26, v37;
	v48, v25, _ =	vpop (xrf1)  }
0xfb: {  	v60 =	vperm.xlane v49, v4;
	(xrf0) =	vmax.scan.msk.f32 $0xffff, v48;
	v37, v26, _ =	vpop (xrf1)  }
0xfc: {  	v45 =	vperm.xlane v45, v4;
	v58 =	vperm.xlane v46, v4;
	v51, _, _ =	vpop (xrf0);
	(xrf0) =	vmax.scan.msk.f32 $0xffff, v37  }
0xfd: {  	v46 =	vsel vm0, v55, v61;
	v38 =	vsel vm0, v56, v60;
	v31 =	vmul.f32 $1.442695020e+00, v31;
	v62, _, _ =	vpop (xrf2)  }
0xfe: {  	v36 =	vsel vm0, v43, v58;
	v63 =	vsel vm0, v41, v45;
	v55, _, _ =	vpop (xrf0);
	(xrf1) =	vsort.dscd.msk.f32 $0xffff, v46, v38;
	v49 =	vbroadcast v62, $0xF  }
0xff: {  	v59 =	vbroadcast v51, $0xF;
	(erf) = vpow2.f32 v31;
	v50, _, _ =	vpop (xrf2);
	(xrf1) =	vsort.dscd.msk.f32 $0xffff, v63, v36  }
0x100: {  	v52 =	vbroadcast v50, $0xF;
	v56, _, _ =	vpop (xrf2);
	(erf) = vrcp.f32 v49  }
0x101: {  	v60, _, _ =	vpop (xrf0);
	v36 =	vbroadcast v55, $0xF  }
0x102: {  	v27 =	vsub.f32 v27, v59;
	(erf) = vrcp.f32 v52;
	v61, _, _ =	vpop (xrf0)  }
0x103: {  	v57 =	vbroadcast v56, $0xF;
	v58, _, _ =	vpop (xrf2);
	v36 =	vsub.f32 v47, v36;
	v31 =	vbroadcast v61, $0xF  }
0x104: {  	v27 =	vmul.f32 $1.442695020e+00, v27;
	v38 =	vbroadcast v58, $0xF  }
0x105: {  	(erf) = vrcp.f32 v57;
	v36 =	vmul.f32 $1.442695020e+00, v36;
	v31 =	vsub.f32 v37, v31  }
0x106: {  	(erf) = vrcp.f32 v38  }
0x107: {  	(erf) = vpow2.f32 v36;
	v31 =	vmul.f32 $1.442695020e+00, v31  }
0x108: {  	v62 =	vpop (erf)  }
0x109: {  	v47 =	vpop (erf);
	(erf) = vpow2.f32 v27  }
0x10a: {  	v50, v27, _ =	vpop (xrf1)  }
0x10b: {  	v52 =	vperm.xlane v54, v4;
	v45 =	vpop (erf)  }
0x10c: {  	v63 =	vperm.xlane v53, v4;
	(erf) = vpow2.f32 v31;
	v51, v31, _ =	vpop (xrf1)  }
0x10d: {  	v54, v53, _ =	vpop (xrf1)  }
0x10e: {  	v46 =	vpop (erf);
	v37 =	vsel vm0, v54, v63;
	v38 =	vsel vm0, v53, v52  }
0x10f: {  	s13 =	sadd.s32 $0x200, s13;
	v43 =	vpop (erf);
	(xrf1) =	vsort.dscd.msk.f32 $0xffff, v37, v38  }
0x110: {  	[tilespmem:s13+$0xFFFFFF90] =	vst v5;
	v55 =	vpop (erf)  }
0x111: {  	[tilespmem:s13+$0xFFFFFFA0] =	vst v5;
	(xrf0) =	vmax.scan.msk.f32 $0xffff, v50;
	v41 =	vnsel vm0, $0x0, v55  }
0x112: {  	[tilespmem:s13+$0x30] =	vst v5;
	v56 =	vpop (erf);
	(xrf2) =	vadd.scan.msk.f32 $0xffff, v41  }
0x113: {  	[tilespmem:s13+$0x80] =	vst v5;
	(xrf0) =	vmax.scan.msk.f32 $0xffff, v51;
	v38 =	vnsel vm0, $0x0, v56  }
0x114: {  	[tilespmem:s13+$0x10] =	vst v5;
	v37 =	vnsel vm0, $0x0, v62;
	(xrf2) =	vadd.scan.msk.f32 $0xffff, v38  }
0x115: {  	[tilespmem:s13+$0x90] =	vst v5;
	(xrf2) =	vadd.scan.msk.f32 $0xffff, v37  }
0x116: {  	[tilespmem:s13+$0xA0] =	vst v5;
	v57 =	vpop (erf)  }
0x117: {  	[tilespmem:s13+$0xB0] =	vst v5;
	v49 =	vbroadcast v60, $0xF;
	v36 =	vnsel vm0, $0x0, v57  }
0x118: {  	[tilespmem:s13+$0xFFFFFF00] =	vst v5;
	(xrf2) =	vadd.scan.msk.f32 $0xffff, v36  }
0x119: {  	[tilespmem:s13+$0xFFFFFF80] =	vst v5;
	v48 =	vsub.f32 v48, v49  }
0x11a: {  	[tilespmem:s13+$0x0] =	vst v5;
	v58 =	vand.u32 $0x7F, v7;
	v52, _, _ =	vpop (xrf0)  }
0x11b: {  	[tilespmem:s13+$0x20] =	vst v5;
	v59 =	vand.u32 $0x7F, v9;
	v49 =	vor.u32 v58, v17;
	v61 =	vmul.f32 $1.442695020e+00, v48;
	v60, _, _ =	vpop (xrf0)  }
0x11c: {  	[tilespmem:s13+$0xFFFFFFB0] =	vst v5;
	v62, _, _ =	vpop (xrf2)  }
0x11d: {  	[tilespmem:s13+$0xFFFFFF20] =	vst v5;
	v23 =	vmul.f32 v40, v23;
	v48, v17, _ =	vpop (xrf1)  }
0x11e: {  	v30 =	vmul.f32 v39, v30;
	v19 =	vor.u32 v59, v19;
	v63 =	vbroadcast v62, $0xF;
	v59, _, _ =	vpop (xrf2);
	(xrf0) =	vmax.scan.msk.f32 $0xffff, v48  }
0x11f: {  	[tilespmem:s13+$0xFFFFFF30] =	vst v5;
	(erf) = vpow2.f32 v61;
	v57 =	vand.u32 $0x7F, v6;
	v58 =	vbroadcast v60, $0xF;
	v61, _, _ =	vpop (xrf2)  }
0x120: {  	[tilespmem:v49+s8+$0x0] =	vst.idx.msk $0xff, v30;
	(erf) = vrcp.f32 v63;
	v63 =	vbroadcast v61, $0xF  }
0x121: {  	[tilespmem:s17+$0x0] =	vst v7;
	v7 =	vmul.f32 v42, v29;
	v10 =	vor.u32 v57, v10;
	v60 =	vbroadcast v59, $0xF  }
0x122: {  	[tilespmem:s13+$0xFFFFFF10] =	vst v5;
	s13 =	sadd.s32 $0x200, s13;
	v40 =	vsub.f32 v51, v58;
	v62 =	vbroadcast v52, $0xF;
	v61 =	vmul.f32 v44, v28;
	v57, _, _ =	vpop (xrf2)  }
0x123: {  	[tilespmem:s13+$0xFFFFFF90] =	vst v5;
	v58 =	vand.u32 $0x7F, v11;
	(erf) = vrcp.f32 v60;
	v59 =	vbroadcast v57, $0xF  }
0x124: {  	[tilespmem:s13+$0xFFFFFFA0] =	vst v5;
	v62 =	vsub.f32 v50, v62;
	v60 =	vmul.f32 $1.442695020e+00, v40;
	(erf) = vrcp.f32 v63;
	v63, _, _ =	vpop (xrf0)  }
0x125: {  	[tilespmem:v19+s8+$0x0] =	vst.idx.msk $0xff, v23;
	v18 =	vor.u32 v58, v18;
	(erf) = vrcp.f32 v59;
	v23 =	vbroadcast v63, $0xF  }
0x126: {  	v29 =	vmul.f32 $1.442695020e+00, v62;
	[tilespmem:v10+s8+$0x0] =	vst.idx.msk $0xff, v61;
	(erf) = vpow2.f32 v60  }
0x127: {  	[tilespmem:s17+$0x80] =	vst v6;
	v6 =	vsub.f32 v48, v23  }
0x128: {  	[tilespmem:s13+$0x30] =	vst v5;
	(erf) = vpow2.f32 v29  }
0x129: {  	[tilespmem:s13+$0x80] =	vst v5;
	v6 =	vmul.f32 $1.442695020e+00, v6  }
0x12a: {  	[tilespmem:v18+s8+$0x0] =	vst.idx.msk $0xff, v7;
	v7 =	vpop (erf)  }
0x12b: {  	[tilespmem:s17+$0xFFFFFF80] =	vst v9;
	v9 =	vpop (erf)  }
0x12c: {  	[tilespmem:s13+$0x10] =	vst v5;
	v10 =	vpop (erf);
	(erf) = vpow2.f32 v6  }
0x12d: {  	[tilespmem:s13+$0x90] =	vst v5;
	v6 =	vpop (erf)  }
0x12e: {  	[tilespmem:s17+$0xFFFFFF00] =	vst v11;
	v11 =	vpop (erf)  }
0x12f: {  	[tilespmem:s13+$0xA0] =	vst v5;
	v30 =	vpop (erf)  }
0x130: {  	[tilespmem:s13+$0xB0] =	vst v5;
	v18 =	vnsel vm0, $0x0, v30  }
0x131: {  	[tilespmem:s13+$0xFFFFFF80] =	vst v5;
	v39 =	vpop (erf);
	(xrf2) =	vadd.scan.msk.f32 $0xffff, v18  }
0x132: {  	[tilespmem:s13+$0x0] =	vst v5;
	v19 =	vnsel vm0, $0x0, v39  }
0x133: {  	[tilespmem:s13+$0x20] =	vst v5;
	v40 =	vand.u32 $0x7F, v14;
	(xrf2) =	vadd.scan.msk.f32 $0xffff, v19  }
0x134: {  	[tilespmem:s13+$0xFFFFFFB0] =	vst v5;
	v7 =	vnsel vm0, $0x0, v7;
	v15 =	vor.u32 v40, v15  }
0x135: {  	[tilespmem:s13+$0xFFFFFF00] =	vst v5;
	v51 =	vand.u32 $0x7F, v8;
	(xrf2) =	vadd.scan.msk.f32 $0xffff, v7;
	v42 =	vpop (erf)  }
0x136: {  	s16 =	sshll.u32 s16, $0x7;
	[tilespmem:s13+$0xFFFFFF20] =	vst v5;
	v12 =	vor.u32 v51, v12;
	v23 =	vnsel vm0, $0x0, v42  }
0x137: {  	s28 =	sadd.s32 $0x80, s16;
	v49 =	vand.u32 $0xFFFFFF80, v21;
	v53 =	vand.u32 $0xFFFFFF80, v24;
	v50 =	vmul.f32 v47, v35;
	(xrf2) =	vadd.scan.msk.f32 $0xffff, v23  }
0x138: {  	[tilespmem:s13+$0xFFFFFF30] =	vst v5;
	v54 =	vand.u32 $0x7F, v21;
	v35 =	vadd.s32 s28, v53;
	v59 =	vand.u32 $0x7F, v24  }
0x139: {  	v58 =	vmul.f32 v46, v33;
	v29 =	vadd.s32 s15, v49;
	[tilespmem:v15+s8+$0x0] =	vst.idx.msk $0xff, v50;
	v15 =	vor.u32 v59, v35  }
0x13a: {  	[tilespmem:s13+$0xFFFFFF10] =	vst v5;
	v29 =	vor.u32 v54, v29;
	v48 =	vand.u32 $0x7F, v13  }
0x13b: {  	v55 =	vmul.f32 v45, v34;
	[tilespmem:v12+s8+$0x0] =	vst.idx.msk $0xff, v58;
	v16 =	vor.u32 v48, v16;
	v56, _, _ =	vpop (xrf2)  }
0x13c: {  	s26 =	sadd.s32 $0x100, s16;
	v52 =	vand.u32 $0xFFFFFF80, v22;
	[tilespmem:s14+$0x80] =	vst v8;
	v40 =	vmul.f32 v9, v41;
	v60 =	vbroadcast v56, $0xF  }
0x13d: {  	v33 =	vand.u32 $0x7F, v22;
	v62 =	vmul.f32 v43, v32;
	v57 =	vadd.s32 s26, v52;
	[tilespmem:s14+$0xFFFFFF80] =	vst v14;
	v63, _, _ =	vpop (xrf2)  }
0x13e: {  	v41 =	vor.u32 v33, v57;
	[tilespmem:v15+s8+$0x0] =	vst.idx.msk $0xff, v40;
	v35 =	vbroadcast v63, $0xF;
	(erf) = vrcp.f32 v60  }
0x13f: {  	s25 =	sadd.s32 $0x180, s16;
	v46 =	vand.u32 $0x7F, v26;
	v43 =	vand.u32 $0x7F, v20;
	v44 =	vand.u32 $0xFFFFFF80, v20;
	[tilespmem:v29+s8+$0x0] =	vst.idx.msk $0xff, v62;
	v42, _, _ =	vpop (xrf2)  }
0x140: {  	v28 =	vadd.s32 s25, v44;
	[tilespmem:v16+s8+$0x0] =	vst.idx.msk $0xff, v55;
	v12 =	vbroadcast v42, $0xF;
	(erf) = vrcp.f32 v35  }
0x141: {  	s11 =	sadd.s32 $0x200, s11;
	v61 =	vand.u32 $0xFFFFFF80, v26;
	v10 =	vmul.f32 v10, v38;
	[tilespmem:s14+$0x0] =	vst v13;
	v13 =	vor.u32 v43, v28;
	v45, _, _ =	vpop (xrf2)  }
0x142: {  	s12 =	sshll.u32 s12, $0x7;
	[tilespmem:s11+$0xFFFFFF80] =	vst v24;
	v39 =	vadd.s32 s16, v61;
	(erf) = vrcp.f32 v12;
	v47 =	vbroadcast v45, $0xF  }
0x143: {  	s29 =	sadd.s32 $0x80, s12;
	v44 =	vand.u32 $0xFFFFFF80, v31;
	v50 =	vand.u32 $0x7F, v31;
	[tilespmem:v41+s8+$0x0] =	vst.idx.msk $0xff, v10;
	v49 =	vor.u32 v46, v39  }
0x144: {  	v48 =	vadd.s32 s29, v44;
	[tilespmem:s14+$0xFFFFFF00] =	vst v21;
	v6 =	vmul.f32 v6, v37;
	(erf) = vrcp.f32 v47  }
0x145: {  	s30 =	sadd.s32 $0x100, s12;
	v51 =	vand.u32 $0xFFFFFF80, v27;
	v9 =	vor.u32 v50, v48;
	[tilespmem:s11+$0x0] =	vst v22  }
0x146: {  	v8 =	vadd.s32 s30, v51;
	v52 =	vmul.f32 v11, v36;
	[tilespmem:v13+s8+$0x0] =	vst.idx.msk $0xff, v6;
	v6 =	vand.u32 $0x7F, v27  }
0x147: {  	s31 =	sadd.s32 $0x180, s12;
	v54 =	vand.u32 $0xFFFFFF80, v25;
	[tilespmem:s11+$0x80] =	vst v20;
	v6 =	vor.u32 v6, v8;
	v53 =	vpop (erf)  }
0x148: {  	v57 =	vand.u32 $0x7F, v25;
	v55 =	vadd.s32 s31, v54;
	[tilespmem:v49+s8+$0x0] =	vst.idx.msk $0xff, v52;
	v56 =	vmul.f32 v53, v18  }
0x149: {  	v58 =	vand.u32 $0xFFFFFF80, v17;
	v8 =	vor.u32 v57, v55;
	[tilespmem:s11+$0xFFFFFF00] =	vst v26;
	v59 =	vpop (erf)  }
0x14a: {  	s11 =	sadd.s32 $0x200, s11;
	v60 =	vand.u32 $0x7F, v17;
	v12 =	vadd.s32 s12, v58;
	v61 =	vmul.f32 v59, v19;
	[tilespmem:v9+s8+$0x0] =	vst.idx.msk $0xff, v56  }
0x14b: {  	v62 =	vor.u32 v60, v12;
	v63 =	vpop (erf);
	[tilespmem:s11+$0xFFFFFF80] =	vst v31  }
0x14c: {  	[tilespmem:v6+s8+$0x0] =	vst.idx.msk $0xff, v61;
	v6 =	vmul.f32 v63, v7  }
0x14d: {  	[tilespmem:s11+$0x0] =	vst v27;
	v7 =	vpop (erf)  }
0x14e: {  	v7 =	vmul.f32 v7, v23;
	[tilespmem:v8+s8+$0x0] =	vst.idx.msk $0xff, v6  }
0x14f: {  	[tilespmem:s11+$0x80] =	vst v25  }
0x150: {  	[tilespmem:v62+s8+$0x0] =	vst.idx.msk $0xff, v7  }
0x151: {  	[tilespmem:s11+$0xFFFFFF00] =	vst v17  }
0x152: {  	[hbm4b:s4+s2] =	stream.linear.scatter [tilespmem:s8], [sflag:$0x1], $0x8000, $0x38;
	[tilespmem:$0x18000] =	vst v63  }
0x153: {  	s10 =	sadd.s32 $0x1, s10;
	_ =	swait.ge [sflag:s7], $0x8000  }
0x154: {  	p0 =	sne.s32 s10, s6;
	[sflag:s7] =	ssyncset.done $0x0  }
.Ltmp1:
0x155: {  	[sflag:s7] =	ssyncadd.s32 $0xFFFF8000;
	(pc) =	sbr.rel @p0 .LBB2_1-.Ltmp1, $4  }
0x156: {  	[hbm4b:s5+s2] =	stream.linear.scatter [tilespmem:s9], [sflag:$0x1], $0x8000, $0x38;
	[tilespmem:$0x18000] =	vst v63  }
0x157: {  	_ =	swait.ge [sflag:s7], $0x8000  }
0x158: {  	[sflag:s7] =	ssyncset.done $0x0  }
0x159: {  	[sflag:s7] =	ssyncadd.s32 $0xFFFF8000  }
0x15a: {  	_ =	sfence.sel $0x180000  }
0x15b: {  	[bflag:$0x0] =	sbarrier.arrive $0xFFFF  }
0x15c: {  	p0 =	sne.s32 s1, $0x0;
	_ =	strace $0x90000047  }
0x15d: {  	s0 =	sadd.s32 @!p0 $0x100000, s0;
	[bflag:$0x2] =	sbarrier.arrive $0xFFFF  }
0x15e: {  	[sflag:s0] =	ssyncadd.tile.s32 @!p0 $0x1;
	_ =	shalt  }
.Lfunc_end2:
_tile_overlayer_lowered:
.L_overlay_start_2:
0x15f: {  	(tag) =	ssettag $0x2  }
0x160: {  	s0 =	rddreg [dreg:$0x0];
	s2 =	stileid.u32  }
0x161: {  	s1 =	rddreg [dreg:$0x1];
	p0 =	sne.s32 s2, $0x0  }
0x162: {  	s3 =	rddreg [dreg:$0x2];
	[bflag:$0x3] =	sbarrier.arrive $0xFFFF;
	s2 =	simm.s32 @!p0 $0x1C01  }
0x163: {  	[timem:s3], [sflag:s2] =	dma.local @!p0 [hbm:s0], s1  }
0x164: {  	s0 =	simm.s32 @!p0 $0x1  }
0x165: {  	_ =	swait.ge @!p0 [sflag:s0], s1  }
0x166: {  	s1 =	ssub.s32 @!p0 $0x0, s1;
	[sflag:s0] =	ssyncset.done @!p0 $0x0  }
0x167: {  	[sflag:s0] =	ssyncadd.s32 @!p0 s1  }
0x168: {  	[bflag:$0x3] =	sbarrier.arrive $0xFFFF  }
0x169: {  	_ =	shalt  }

// kernel: kernel.9.cloned.1.call-start
scs
__scs_entry_jumppad:
0x0: {  	(pc) =	sbr.rel $0x88, $3  }
0x1: {  	(tag) =	ssettag $0x0;
	lr =	simm.s32 $0x1  }
0x2: {  	[smem:$0x3F9B] =	sst lr;
	_ =	strace $0xD0000000  }
0x3: {  	_ = 	snop  }
0x4: {  	_ = 	snop  }
0x5: {  	_ = 	snop  }
0x6: {  	_ = 	snop  }
0x7: {  	_ = 	snop  }
__scs_overlays_trampoline_lowered:
0x8: {  	[smem:$0x3FAA] =	sst s0  }
0x9: {  	[smem:$0x3FAB] =	sst s1  }
0xa: {  	[smem:$0x3FAC] =	sst s2  }
0xb: {  	[smem:$0x3FAD] =	sst s3  }
0xc: {  	[smem:$0x3FAE] =	sst s4  }
0xd: {  	[smem:$0x3FAF] =	sst s5  }
0xe: {  	[smem:$0x3FB0] =	sst s6  }
0xf: {  	[smem:$0x3FB1] =	sst s7  }
0x10: {  	[smem:$0x3FB2] =	sst s8  }
0x11: {  	[smem:$0x3FB3] =	sst s9;
	s0 =	simm.s32 @!p0 $0x0  }
0x12: {  	s1 =	sld [smem:$0x3F99];
	s0 =	simm.s32 @p0 $0x1  }
0x13: {  	[smem:$0x3FB4] =	sst s0;
	s0 =	simm.s32 @!p1 $0x0  }
0x14: {  	s2 =	sld [smem:$0x3F98];
	s0 =	simm.s32 @p1 $0x1  }
0x15: {  	[smem:$0x3FB5] =	sst s0;
	s0 =	simm.s32 @!p2 $0x0  }
0x16: {  	s3 =	sld [smem:$0x3FDB];
	s0 =	simm.s32 @p2 $0x1  }
0x17: {  	s4 =	simm.s32 $0x1BF5;
	[smem:$0x3FB7] =	sst s0  }
0x18: {  	s0 =	sld [smem:$0x3F9A];
	_ =	swait.ge [sflag:s4], $0x0  }
0x19: {  	s7 =	sld [smem:$0x3F9B]  }
0x1a: {  	s8 =	sadd.s32 $0xFFFFE003, lr  }
0x1b: {  	s9 =	sadd.s32 $0xFFFFFEF7, lr;
	s5 =	simm.s32 $0xFFFFFFFF;
	p2 =	slt.u32 s8, $0xFFFFF086  }
0x1c: {  	p1 =	slt.u32 s9, $0xF7A;
	s5 =	simm.s32 @!p2 $0x0  }
0x1d: {  	s5 =	simm.s32 @p1 $0x1;
	p0 =	seq.s32 s7, s2  }
0x1e: {  	s7 =	smul.u32 @!p0 $0xF7A, s2;
	p2 =	seq.s32 @!p0 s5, $0x0  }
0x1f: {  	s9 =	smul.u32 $0xF7A, s1;
	s8 =	simm.s32 @!p0 $0x1BF5;
	p2 =	por !p2, p0  }
0x20: {  	[sflag:s8] =	ssyncset.s32 @!p0 $0xFFFFF086;
	s6 =	sadd.s32 @!p0 s3, s7;
	s7 =	simm.s32 @!p0 $0x108  }
0x21: {  	s3 =	sadd.s32 s3, s9;
	s6 =	sadd.s32 @!p0 $0x88, s6;
	s7 =	simm.s32 @p2 $0x1082  }
0x22: {  	[simem:s7], [sflag:s8] =	dma.local @!p0 [hbm:s6], $0xF7A  }
0x23: {  	s9 =	sor.u32 $0xD0000000, s2;
	s6 =	simm.s32 $0x108;
	_ =	swait.ge @!p0 [sflag:s8], $0x0  }
0x24: {  	s3 =	sadd.s32 $0x88, s3;
	s6 =	simm.s32 @!p1 $0x1082;
	[sflag:s4] =	ssyncset.s32 $0xFFFFF086  }
0x25: {  	[simem:s6], [sflag:s4] =	dma.local [hbm:s3], $0xF7A  }
0x26: {  	[smem:$0x3F9B] =	sst s1;
	(tag) =	ssettag s2;
	_ =	strace s9  }
0x27: {  	s1 =	sld [smem:$0x3FAB]  }
0x28: {  	s2 =	sld [smem:$0x3FAC]  }
0x29: {  	s4 =	sld [smem:$0x3FAE]  }
0x2a: {  	p0 =	seq.s32 s5, $0x0;
	s5 =	sld [smem:$0x3FAF]  }
0x2b: {  	s6 =	sld [smem:$0x3FB0]  }
0x2c: {  	s7 =	sld [smem:$0x3FB1]  }
0x2d: {  	s3 =	simm.s32 $0x108;
	s8 =	sld [smem:$0x3FB2]  }
0x2e: {  	s3 =	simm.s32 @!p0 $0x1082;
	s9 =	sld [smem:$0x3FB3]  }
0x2f: {  	lr =	sadd.s32 s0, s3;
	s0 =	sld [smem:$0x3FAA]  }
0x30: {  	s3 =	sld [smem:$0x3FAD]  }
0x31: {  	[smem:$0x3FB6] =	sst s10  }
0x32: {  	s10 =	sld [smem:$0x3FB4];
	_ =	sdelay $0x3  }
0x33: {  	p0 =	seq.s32 s10, $0x1;
	s10 =	sld [smem:$0x3FB6];
	_ =	sdelay $0x3  }
0x34: {  	[smem:$0x3FB6] =	sst s10  }
0x35: {  	s10 =	sld [smem:$0x3FB5];
	_ =	sdelay $0x3  }
0x36: {  	p1 =	seq.s32 s10, $0x1;
	s10 =	sld [smem:$0x3FB6];
	_ =	sdelay $0x3  }
0x37: {  	[smem:$0x3FB6] =	sst s10  }
0x38: {  	s10 =	sld [smem:$0x3FB7]  }
0x39: {  	_ = 	snop;
	(pc) =	sbr.ind lr, $3  }
0x3a: {  	_ = 	snop  }
0x3b: {  	_ = 	snop  }
0x3c: {  	p2 =	seq.s32 s10, $0x1;
	s10 =	sld [smem:$0x3FB6]  }
0x3d: {  	_ =	shalt  }
0x3e: {  	_ =	shalt  }
0x3f: {  	_ =	shalt  }
0x40: {  	_ =	shalt  }
0x41: {  	_ =	shalt  }
0x42: {  	_ =	shalt  }
0x43: {  	_ =	shalt  }
0x44: {  	_ =	shalt  }
0x45: {  	_ =	shalt  }
0x46: {  	_ =	shalt  }
0x47: {  	_ =	shalt  }
0x48: {  	_ =	shalt  }
0x49: {  	_ =	shalt  }
0x4a: {  	_ =	shalt  }
0x4b: {  	_ =	shalt  }
0x4c: {  	_ =	shalt  }
0x4d: {  	_ =	shalt  }
0x4e: {  	_ =	shalt  }
0x4f: {  	_ =	shalt  }
0x50: {  	_ =	shalt  }
0x51: {  	_ =	shalt  }
0x52: {  	_ =	shalt  }
0x53: {  	_ =	shalt  }
0x54: {  	_ =	shalt  }
0x55: {  	_ =	shalt  }
0x56: {  	_ =	shalt  }
0x57: {  	_ =	shalt  }
0x58: {  	_ =	shalt  }
0x59: {  	_ =	shalt  }
0x5a: {  	_ =	shalt  }
0x5b: {  	_ =	shalt  }
0x5c: {  	_ =	shalt  }
0x5d: {  	_ =	shalt  }
0x5e: {  	_ =	shalt  }
0x5f: {  	_ =	shalt  }
0x60: {  	_ =	shalt  }
0x61: {  	_ =	shalt  }
0x62: {  	_ =	shalt  }
0x63: {  	_ =	shalt  }
0x64: {  	_ =	shalt  }
0x65: {  	_ =	shalt  }
0x66: {  	_ =	shalt  }
0x67: {  	_ =	shalt  }
0x68: {  	_ =	shalt  }
0x69: {  	_ =	shalt  }
0x6a: {  	_ =	shalt  }
0x6b: {  	_ =	shalt  }
0x6c: {  	_ =	shalt  }
0x6d: {  	_ =	shalt  }
0x6e: {  	_ =	shalt  }
0x6f: {  	_ =	shalt  }
0x70: {  	_ =	shalt  }
0x71: {  	_ =	shalt  }
0x72: {  	_ =	shalt  }
0x73: {  	_ =	shalt  }
0x74: {  	_ =	shalt  }
0x75: {  	_ =	shalt  }
0x76: {  	_ =	shalt  }
0x77: {  	_ =	shalt  }
0x78: {  	_ =	shalt  }
0x79: {  	_ =	shalt  }
0x7a: {  	_ =	shalt  }
0x7b: {  	_ =	shalt  }
0x7c: {  	_ =	shalt  }
0x7d: {  	_ =	shalt  }
0x7e: {  	_ =	shalt  }
0x7f: {  	_ =	shalt  }
0x80: {  	_ =	shalt  }
0x81: {  	_ =	shalt  }
0x82: {  	_ =	shalt  }
0x83: {  	_ =	shalt  }
0x84: {  	_ =	shalt  }
0x85: {  	_ =	shalt  }
0x86: {  	_ =	shalt  }
0x87: {  	_ =	shalt  }
.Lfunc_end0:
.L_simem_size_0:
called_computation.1_lowered:
.L_overlay_start_0:
0x88: {  	s2 =	sld [smem:$0x3FD9]  }
0x89: {  	s3 =	sld [smem:$0x3FFE];
	_ =	sdelay $0x1  }
0x8a: {  	s1 =	srdreg.scid  }
0x8b: {  	s0 =	sand.u32 $0x1, s1  }
0x8c: {  	s15 =	sshll.u32 s0, $0xA;
	s2 =	sadd.s32 s3, s2  }
0x8d: {  	s2 =	sadd.s32 s2, s15  }
0x8e: {  	[smem:$0x3FC2] =	sst s2  }
0x8f: {  	_ = 	snop  }
0x90: {  	s2 =	sld [smem:$0x3FD0];
	_ =	sdelay $0x2  }
0x91: {  	s16 =	simm.s32 $0xB;
	s4 =	simm.s32 $0x10  }
0x92: {  	[smem:s4], [sflag:s16] =	dma.local [hbm:s2], $0x1  }
0x93: {  	_ =	swait.eq [sflag:s16], $0x1  }
0x94: {  	[sflag:s16] =	ssyncset.done $0x0  }
0x95: {  	[sflag:s16] =	ssyncadd.s32 $0xFFFFFFFF  }
0x96: {  	s17 =	sld [smem:$0x10];
	(tm) =	ssettm $0x1  }
0x97: {  	s18 =	sld [smem:$0x3FFB];
	_ =	sdelay $0x3  }
0x98: {  	_ =	strace s18  }
0x99: {  	s2 =	sld [smem:$0x3FFC];
	_ =	sdelay $0x3  }
0x9a: {  	_ =	strace s2  }
0x9b: {  	s2 =	sld [smem:$0x3FFD];
	_ =	sdelay $0x3  }
0x9c: {  	_ =	strace s2  }
0x9d: {  	_ =	strace $0x8FFFFFFF  }
0x9e: {  	s19 =	sld [smem:$0x3FDB];
	_ =	sdelay $0x1  }
0x9f: {  	s20 =	simm.s32 $_scs_section_size  }
0xa0: {  	s5 =	simm.s32 $_size__tile_overlayer_lowered;
	s6 =	simm.s32 $_tile_overlayer_lowered  }
0xa1: {  	s7 =	simm.s32 $0x1BFF;
	s21 =	sshll.u32 s6, $0x1;
	s4 =	sadd.s32 s20, s19  }
0xa2: {  	s22 =	simm.s32 $0x0;
	s5 =	sshll.u32 s5, $0x1;
	s6 =	sadd.s32 s21, s4  }
0xa3: {  	[timem:s22], [sflag:s7] =	dma.local [hbm:s6], s5  }
0xa4: {  	_ =	swait.ge [sflag:s7], s5  }
0xa5: {  	s5 =	ssub.s32 $0x0, s5;
	[sflag:s7] =	ssyncset.done $0x0  }
0xa6: {  	[sflag:s7] =	ssyncadd.s32 s5;
	_ =	sdelay $0x1  }
0xa7: {  	s23 =	simm.s32 $0x1B8B  }
0xa8: {  	_ =	swait.ge [sflag:s23], $0x1  }
0xa9: {  	[sflag:s23] =	ssyncset.done $0x0  }
0xaa: {  	[sflag:s23] =	ssyncadd.s32 $0xFFFFFFFF  }
0xab: {  	s5 =	sld [smem:$0x0]  }
0xac: {  	s6 =	sand.u32 $0xFFFFFFFE, s1  }
0xad: {  	p0 =	sne.s32 s1, s6  }
0xae: {  	s6 =	sshll.u32 @p0 s6, $0xE  }
0xaf: {  	s6 =	sadd.s32 @p0 $0x11B8D, s6;
	s7 =	sshll.u32 @p0 s5, $0x11  }
0xb0: {  	s6 =	sor.u32 @p0 s7, s6  }
0xb1: {  	[sflag:s6] =	ssyncadd.remote.s32 @p0 $0x1;
	_ =	sdelay $0x1  }
0xb2: {  	s6 =	simm.s32 @p0 $0x1B8D  }
0xb3: {  	_ =	swait.eq @p0 [sflag:s6], $0x1  }
0xb4: {  	[sflag:s6] =	ssyncadd.s32 @p0 $0xFFFFFFFF  }
0xb5: {  	s7 =	sshll.u32 @!p0 s1, $0xE  }
0xb6: {  	s7 =	sor.u32 @!p0 $0x4000, s7;
	s6 =	simm.s32 @!p0 $0x1B8D  }
0xb7: {  	s5 =	sshll.u32 @!p0 s5, $0x11;
	s7 =	sadd.s32 @!p0 $0x11B8D, s7;
	_ =	swait.eq @!p0 [sflag:s6], $0x1  }
0xb8: {  	s5 =	sor.u32 @!p0 s5, s7;
	[sflag:s6] =	ssyncadd.s32 @!p0 $0xFFFFFFFF  }
0xb9: {  	s25 =	simm.s32 $0x1B8E;
	s24 =	sld [smem:$0x3FFE];
	[sflag:s5] =	ssyncadd.remote.s32 @!p0 $0x1  }
0xba: {  	s26 =	simm.s32 $execute0_lowered;
	[smem:$0x3FD2] =	sst s25  }
0xbb: {  	s6 =	sshll.u32 s26, $0x1;
	_ =	strace $0x80000049;
	[dreg:$0x1] =	wrdreg $0xFFFFFFFF  }
0xbc: {  	s28 =	simm.s32 $_size_execute0_lowered;
	s4 =	sadd.s32 s4, s6;
	[dreg:$0x0] =	wrdreg $0x0  }
0xbd: {  	s6 =	sshll.u32 s28, $0x1;
	[dreg:$0x2] =	wrdreg s4  }
0xbe: {  	[dreg:$0x3] =	wrdreg s6  }
0xbf: {  	[dreg:$0x4] =	wrdreg $0xC0  }
0xc0: {  	_ =	task [dreg:s22], $0x5FFFF  }
0xc1: {  	[dreg:$0x1] =	wrdreg $0xFFFFFFFF  }
0xc2: {  	[dreg:$0x0] =	wrdreg $0x60  }
0xc3: {  	[dreg:$0x2] =	wrdreg s17  }
0xc4: {  	[dreg:$0x3] =	wrdreg s24  }
0xc5: {  	[dreg:$0x4] =	wrdreg $0xA  }
0xc6: {  	_ =	task.clear_ibuf [dreg:s22], $0x5FFFF;
	_ =	strace $0x90000049  }
0xc7: {  	s29 =	simm.s32 $0xA;
	_ =	strace $0x8000004B  }
0xc8: {  	_ =	swait.ge [sflag:s29], $0x1  }
0xc9: {  	[sflag:s29] =	ssyncadd.s32 $0xFFFFFFFF  }
0xca: {  	_ =	strace $0x9000004B  }
0xcb: {  	_ =	sfence  }
0xcc: {  	s30 =	sld [smem:$0x0];
	_ =	sdelay $0x2  }
0xcd: {  	s31 =	sshll.u32 s1, $0xD;
	s1 =	sshrl.u32 s1, $0x2  }
0xce: {  	s4 =	sand.u32 $0x4000, s31;
	s1 =	sadd.s32 s1, s30  }
0xcf: {  	s0 =	sor.u32 s4, s0;
	s1 =	sshll.u32 s1, $0x11  }
0xd0: {  	s0 =	sor.u32 s1, s0  }
0xd1: {  	s0 =	sadd.s32 $0x8F2B, s0  }
0xd2: {  	[sflag:s0] =	ssyncadd.remote.s32 $0x1  }
0xd3: {  	_ =	sfence.sel $0xFFFF  }
0xd4: {  	[dreg:$0x0] =	wrdreg $0xFFFFFFFF;
	(pc) =	sbr.abs _section_cstart, $3  }
0xd5: {  	[dreg:$0x1] =	wrdreg $0xFFFFFFFF  }
0xd6: {  	_ =	task.clear_ibuf [dreg:s22], $0x2FFFF;
	_ =	strace $0x9FFFFFFF  }
0xd7: {  	(tm) =	ssettm $0x7FFFFFFF  }
tec
execute0_lowered:
.L_overlay_start_1:
0x0: {  	(tag) =	ssettag $0x1  }
0x1: {  	s3 =	rddreg [dreg:$0x0]  }
0x2: {  	s4 =	rddreg [dreg:$0x1];
	s2 =	srdreg.scid  }
0x3: {  	s0 =	rddreg [dreg:$0x2];
	s1 =	stileid.u32;
	s9 =	simm.s32 $0x10000  }
0x4: {  	s10 =	simm.s32 $0x0;
	s5 =	sand.u32 $0x1, s2;
	s2 =	simm.s32 $0x0  }
0x5: {  	s6 =	sshll.u32 s1, $0xD;
	s7 =	sshll.u32 s5, $0xC;
	s5 =	ssub.s32 $0x2, s5  }
0x6: {  	v0 =	vlaneseq.u32;
	[smem:$0x7FF] =	sst s2;
	s6 =	sor.u32 s7, s6;
	s31 =	sshrl.u32 s5, $0x1  }
0x7: {  	v4 =	vmul.u32 $0xFFFFFFFF, v0;
	_ =	strace $0x8000004A;
	s7 =	sadd.s32 s6, s4;
	s8 =	ssub.s32 s5, s31  }
0x8: {  	vm0 =	vmmov $0xff;
	v5 =	vimm.f32 $0.0e+00;
	v1 =	vor.u32 $0x10, v0;
	s3 =	sadd.s32 s3, s6;
	s4 =	sadd.s32 $0x62200, s7;
	s5 =	sadd.s32 $0x82200, s7  }
0x9: {  	v2 =	vor.u32 $0x20, v0;
	v3 =	vor.u32 $0x30, v0;
	v4 =	vadd.s32 $0xF, v4;
	s6 =	smax.u32 s8, $0x1;
	s7 =	simm.s32 $0x1;
	s8 =	simm.s32 $0x8000  }
.LBB2_1:
0xa: {  	[tilespmem:s2], [sflag:$0x1] =	stream.linear.gather [hbm4b:s3+s2], $0x8000, $0x38;
	[tilespmem:$0x18000] =	vst v63  }
0xb: {  	_ =	swait.ge [sflag:s7], $0x8000  }
0xc: {  	[sflag:s7] =	ssyncset.done $0x0  }
0xd: {  	s11 =	simm.s32 $0x100;
	[sflag:s7] =	ssyncadd.s32 $0xFFFF8000  }
0xe: {  	v6 =	vld [tilespmem:s11+$0x80]  }
0xf: {  	v7 =	vld [tilespmem:s11+$0x90]  }
0x10: {  	v8 =	vld [tilespmem:s11+$0x30]  }
0x11: {  	v9 =	vld [tilespmem:s11+$0xFFFFFF30]  }
0x12: {  	v10 =	vld [tilespmem:s11+$0xB0]  }
0x13: {  	v11 =	vld [tilespmem:s11+$0xFFFFFFB0];
	(xrf1) =	vsort.dscd.msk.f32 $0xffff, v6, v0  }
0x14: {  	v6 =	vld [tilespmem:s11+$0xA0];
	(xrf1) =	vsort.dscd.msk.f32 $0xffff, v7, v1  }
0x15: {  	(xrf1) =	vsort.dscd.msk.f32 $0xffff, v8, v3  }
0x16: {  	(xrf1) =	vsort.dscd.msk.f32 $0xffff, v9, v3  }
0x17: {  	v7 =	vld [tilespmem:s11+$0x0];
	(xrf1) =	vsort.dscd.msk.f32 $0xffff, v10, v3  }
0x18: {  	v8 =	vld [tilespmem:s11+$0x20];
	(xrf1) =	vsort.dscd.msk.f32 $0xffff, v11, v3  }
0x19: {  	v9 =	vld [tilespmem:s11+$0x10];
	(xrf1) =	vsort.dscd.msk.f32 $0xffff, v6, v2  }
0x1a: {  	v6 =	vld [tilespmem:s11+$0xFFFFFFA0];
	_ =	sdelay $0x1  }
0x1b: {  	(xrf1) =	vsort.dscd.msk.f32 $0xffff, v7, v0;
	v7 =	vld [tilespmem:s11+$0xFFFFFF90]  }
0x1c: {  	(xrf1) =	vsort.dscd.msk.f32 $0xffff, v8, v2;
	v8 =	vld [tilespmem:s11+$0xFFFFFF20]  }
0x1d: {  	(xrf1) =	vsort.dscd.msk.f32 $0xffff, v9, v1;
	v9 =	vld [tilespmem:s11+$0xFFFFFF10]  }
0x1e: {  	v10 =	vld [tilespmem:s11+$0xFFFFFF80];
	(xrf1) =	vsort.dscd.msk.f32 $0xffff, v6, v2;
	_ =	sdelay $0x1  }
0x1f: {  	(xrf1) =	vsort.dscd.msk.f32 $0xffff, v7, v1;
	v6, v7, _ =	vpop (xrf1)  }
0x20: {  	(xrf1) =	vsort.dscd.msk.f32 $0xffff, v8, v2;
	v8, v11, _ =	vpop (xrf1)  }
0x21: {  	(xrf1) =	vsort.dscd.msk.f32 $0xffff, v9, v1;
	v9, v12, _ =	vpop (xrf1)  }
0x22: {  	(xrf1) =	vsort.dscd.msk.f32 $0xffff, v10, v0;
	v10, v13, _ =	vpop (xrf1)  }
0x23: {  	v14, v15, _ =	vpop (xrf1)  }
0x24: {  	v16 =	vld [tilespmem:s11+$0xFFFFFF00];
	v11 =	vperm.xlane v11, v4;
	v17, v18, _ =	vpop (xrf1);
	v15 =	vperm.xlane v15, v4  }
0x25: {  	v8 =	vperm.xlane v8, v4;
	v14 =	vperm.xlane v14, v4;
	v19, v20, _ =	vpop (xrf1)  }
0x26: {  	v15 =	vsel vm0, v20, v15  }
0x27: {  	v14 =	vsel vm0, v19, v14  }
0x28: {  	v19, v20, _ =	vpop (xrf1);
	(xrf1) =	vsort.dscd.msk.f32 $0xffff, v14, v15  }
0x29: {  	v6 =	vsel vm0, v6, v8;
	v7 =	vsel vm0, v7, v11;
	v8, v11, _ =	vpop (xrf1);
	(xrf1) =	vsort.dscd.msk.f32 $0xffff, v16, v0  }
0x2a: {  	v12 =	vperm.xlane v12, v4;
	(xrf1) =	vsort.dscd.msk.f32 $0xffff, v6, v7;
	v7 =	vperm.xlane v18, v4;
	v14, v15, _ =	vpop (xrf1)  }
0x2b: {  	v6 =	vperm.xlane v17, v4;
	v16, v17, _ =	vpop (xrf1)  }
0x2c: {  	v7 =	vsel vm0, v17, v7  }
0x2d: {  	v9 =	vperm.xlane v9, v4;
	v10 =	vperm.xlane v10, v4;
	v6 =	vsel vm0, v16, v6  }
0x2e: {  	v14 =	vperm.xlane v14, v4;
	v15 =	vperm.xlane v15, v4  }
0x2f: {  	s23 =	simm.s32 $0x300;
	v13 =	vperm.xlane v13, v4;
	v8 =	vsel vm0, v8, v9;
	v9 =	vsel vm0, v11, v12;
	v11, v12, _ =	vpop (xrf1)  }
0x30: {  	v16 =	vld [tilespmem:s23+$0x80];
	v14 =	vsel vm0, v19, v14;
	v15 =	vsel vm0, v20, v15;
	(xrf1) =	vsort.dscd.msk.f32 $0xffff, v6, v7;
	v6, v7, _ =	vpop (xrf1)  }
0x31: {  	v11 =	vperm.xlane v11, v4;
	v12 =	vperm.xlane v12, v4;
	(xrf1) =	vsort.dscd.msk.f32 $0xffff, v8, v9;
	v8 =	vld [tilespmem:s23+$0x90];
	v17, v18, _ =	vpop (xrf1)  }
0x32: {  	v7 =	vsel vm0, v7, v13;
	v6 =	vsel vm0, v6, v10;
	(xrf1) =	vsort.dscd.msk.f32 $0xffff, v14, v15;
	v13 =	vld [tilespmem:s23+$0x30];
	v9, v10, _ =	vpop (xrf1)  }
0x33: {  	(xrf1) =	vsort.dscd.msk.f32 $0xffff, v6, v7;
	v6 =	vld [tilespmem:s23+$0xFFFFFF30];
	v9 =	vsel vm0, v9, v11;
	v10 =	vsel vm0, v10, v12  }
0x34: {  	v7 =	vld [tilespmem:s23+$0xB0];
	(xrf1) =	vsort.dscd.msk.f32 $0xffff, v9, v10  }
0x35: {  	v9 =	vld [tilespmem:s23+$0xFFFFFFB0];
	(xrf1) =	vsort.dscd.msk.f32 $0xffff, v16, v0  }
0x36: {  	v10 =	vld [tilespmem:s23+$0xA0];
	(xrf1) =	vsort.dscd.msk.f32 $0xffff, v8, v1  }
0x37: {  	(xrf1) =	vsort.dscd.msk.f32 $0xffff, v13, v3  }
0x38: {  	v8, v11, _ =	vpop (xrf1);
	(xrf1) =	vsort.dscd.msk.f32 $0xffff, v6, v3;
	v6 =	vld [tilespmem:s23+$0x0]  }
0x39: {  	v14 =	vld [tilespmem:s23+$0x20];
	v12, v13, _ =	vpop (xrf1);
	v8 =	vperm.xlane v8, v4;
	v11 =	vperm.xlane v11, v4;
	(xrf1) =	vsort.dscd.msk.f32 $0xffff, v7, v3  }
0x3a: {  	v16 =	vld [tilespmem:s23+$0x10];
	v7, v15, _ =	vpop (xrf1);
	(xrf1) =	vsort.dscd.msk.f32 $0xffff, v9, v3  }
0x3b: {  	v9 =	vsel vm0, v15, v11;
	v7 =	vsel vm0, v7, v8;
	(xrf1) =	vsort.dscd.msk.f32 $0xffff, v10, v2  }
0x3c: {  	(xrf1) =	vsort.dscd.msk.f32 $0xffff, v7, v9  }
0x3d: {  	v7 =	vld [tilespmem:s23+$0xFFFFFFA0];
	(xrf1) =	vsort.dscd.msk.f32 $0xffff, v6, v0  }
0x3e: {  	v6, v8, _ =	vpop (xrf1);
	(xrf1) =	vsort.dscd.msk.f32 $0xffff, v14, v2  }
0x3f: {  	v9, v10, _ =	vpop (xrf1);
	(xrf1) =	vsort.dscd.msk.f32 $0xffff, v16, v1  }
0x40: {  	v11 =	vld [tilespmem:s23+$0xFFFFFF90];
	v14, v15, _ =	vpop (xrf1)  }
0x41: {  	v16 =	vld [tilespmem:s23+$0xFFFFFF20];
	v19, v22, _ =	vpop (xrf1)  }
0x42: {  	v20 =	vld [tilespmem:s23+$0xFFFFFF10];
	v21, v23, _ =	vpop (xrf1);
	(xrf1) =	vsort.dscd.msk.f32 $0xffff, v7, v2  }
0x43: {  	v24 =	vld [tilespmem:s23+$0xFFFFFF80];
	v7, v25, _ =	vpop (xrf1)  }
0x44: {  	v26, v27, _ =	vpop (xrf1)  }
0x45: {  	v6 =	vperm.xlane v6, v4;
	(xrf1) =	vsort.dscd.msk.f32 $0xffff, v11, v1;
	v11, v28, _ =	vpop (xrf1)  }
0x46: {  	v9 =	vperm.xlane v9, v4;
	(xrf1) =	vsort.dscd.msk.f32 $0xffff, v16, v2;
	v16 =	vperm.xlane v18, v4;
	v18, v29, _ =	vpop (xrf1)  }
0x47: {  	v10 =	vperm.xlane v10, v4;
	v27 =	vperm.xlane v27, v4;
	(xrf1) =	vsort.dscd.msk.f32 $0xffff, v20, v1;
	v20, v30, _ =	vpop (xrf1)  }
0x48: {  	v26 =	vperm.xlane v26, v4;
	(xrf1) =	vsort.dscd.msk.f32 $0xffff, v24, v0;
	v24, v31, _ =	vpop (xrf1);
	v30 =	vperm.xlane v30, v4  }
0x49: {  	v9 =	vsel vm0, v14, v9;
	v10 =	vsel vm0, v15, v10;
	v20 =	vperm.xlane v20, v4;
	v14, v15, _ =	vpop (xrf1)  }
0x4a: {  	v32 =	vperm.xlane v8, v4;
	v21 =	vsel vm0, v21, v6;
	v8, v6, _ =	vpop (xrf1)  }
0x4b: {  	v33 =	vld [tilespmem:s23+$0xFFFFFF00];
	v58, v34, _ =	vpop (xrf1)  }
0x4c: {  	v7 =	vsel vm0, v7, v26;
	v25 =	vsel vm0, v25, v27;
	v26, v27, _ =	vpop (xrf1)  }
0x4d: {  	v17 =	vperm.xlane v17, v4;
	v14 =	vsel vm0, v14, v20;
	v15 =	vsel vm0, v15, v30;
	v20, v30, _ =	vpop (xrf1)  }
0x4e: {  	(xrf1) =	vsort.dscd.msk.f32 $0xffff, v14, v15;
	v15 =	vperm.xlane v20, v4;
	v20 =	vperm.xlane v24, v4  }
0x4f: {  	v23 =	vsel vm0, v23, v32;
	v11 =	vperm.xlane v11, v4;
	v31 =	vperm.xlane v31, v4  }
0x50: {  	v14 =	vperm.xlane v18, v4;
	v18 =	vperm.xlane v29, v4;
	(xrf1) =	vsort.dscd.msk.f32 $0xffff, v33, v0;
	v24, v29, _ =	vpop (xrf1)  }
0x51: {  	v28 =	vperm.xlane v28, v4;
	(xrf1) =	vsort.dscd.msk.f32 $0xffff, v9, v10;
	v10 =	vsel vm0, v24, v20  }
0x52: {  	v30 =	vperm.xlane v30, v4;
	(xrf1) =	vsort.dscd.msk.f32 $0xffff, v7, v25;
	v24 =	vsel vm0, v29, v31  }
0x53: {  	v9 =	vsel vm0, v26, v11;
	v7 =	vsel vm0, v27, v28;
	(xrf1) =	vsort.dscd.msk.f32 $0xffff, v21, v23;
	v11, v20, _ =	vpop (xrf1)  }
0x54: {  	v15 =	vsel vm0, v58, v15;
	v21 =	vsel vm0, v34, v30;
	(xrf1) =	vsort.dscd.msk.f32 $0xffff, v10, v24;
	v10, v23, _ =	vpop (xrf1)  }
0x55: {  	(xrf1) =	vsort.dscd.msk.f32 $0xffff, v9, v7;
	v11 =	vperm.xlane v11, v4;
	v20 =	vperm.xlane v20, v4;
	v24, v25, _ =	vpop (xrf1)  }
0x56: {  	(xrf1) =	vsort.dscd.msk.f32 $0xffff, v15, v21;
	v7 =	vsel vm0, v23, v18;
	v9 =	vsel vm0, v10, v14;
	v10, v14, _ =	vpop (xrf1)  }
0x57: {  	s24 =	simm.s32 $0x500;
	(xrf1) =	vsort.dscd.msk.f32 $0xffff, v9, v7;
	v10 =	vsel vm0, v10, v11;
	v11 =	vsel vm0, v14, v20  }
0x58: {  	v15 =	vld [tilespmem:s24+$0x80];
	v7 =	vsel vm0, v13, v16;
	v9 =	vsel vm0, v12, v17;
	(xrf1) =	vsort.dscd.msk.f32 $0xffff, v10, v11  }
0x59: {  	v12 =	vld [tilespmem:s24+$0x90];
	(xrf1) =	vsort.dscd.msk.f32 $0xffff, v9, v7  }
0x5a: {  	v9 =	vld [tilespmem:s24+$0x30]  }
0x5b: {  	v10 =	vld [tilespmem:s24+$0xFFFFFF30]  }
0x5c: {  	(xrf0) =	vmax.scan.msk.f32 $0xffff, v8;
	v16 =	vld [tilespmem:s24+$0xB0]  }
0x5d: {  	v17 =	vld [tilespmem:s24+$0xFFFFFFB0];
	(xrf1) =	vsort.dscd.msk.f32 $0xffff, v15, v0;
	v11, v15, _ =	vpop (xrf1)  }
0x5e: {  	v18 =	vld [tilespmem:s24+$0xA0];
	(xrf1) =	vsort.dscd.msk.f32 $0xffff, v12, v1;
	v12, v14, _ =	vpop (xrf1)  }
0x5f: {  	v13, v7, _ =	vpop (xrf1);
	(xrf1) =	vsort.dscd.msk.f32 $0xffff, v9, v3  }
0x60: {  	v15 =	vperm.xlane v15, v4;
	v20, v21, _ =	vpop (xrf1);
	(xrf1) =	vsort.dscd.msk.f32 $0xffff, v10, v3;
	v10 =	vld [tilespmem:s24+$0x0]  }
0x61: {  	v28 =	vld [tilespmem:s24+$0x20];
	v11 =	vperm.xlane v11, v4;
	v23, v9, _ =	vpop (xrf1);
	(xrf1) =	vsort.dscd.msk.f32 $0xffff, v16, v3  }
0x62: {  	v15 =	vsel vm0, v21, v15;
	v26, v27, _ =	vpop (xrf1);
	(xrf1) =	vsort.dscd.msk.f32 $0xffff, v17, v3  }
0x63: {  	v11 =	vsel vm0, v20, v11;
	v16 =	vld [tilespmem:s24+$0x10];
	v29, v30, _ =	vpop (xrf1);
	(xrf1) =	vsort.dscd.msk.f32 $0xffff, v18, v2  }
0x64: {  	v17, v31, _ =	vpop (xrf1);
	(xrf1) =	vsort.dscd.msk.f32 $0xffff, v11, v15  }
0x65: {  	s12 =	simm.s32 $0x8100;
	v18 =	vld [tilespmem:s24+$0xFFFFFFA0];
	v20, v21, _ =	vpop (xrf1);
	(xrf1) =	vsort.dscd.msk.f32 $0xffff, v10, v0  }
0x66: {  	[tilespmem:s12+$0x80] =	vst v5;
	v10 =	vperm.xlane v19, v4;
	v19 =	vperm.xlane v22, v4;
	v11, v15, _ =	vpop (xrf1);
	(xrf1) =	vsort.dscd.msk.f32 $0xffff, v28, v2;
	v28 =	vld [tilespmem:s24+$0xFFFFFF90]  }
0x67: {  	[tilespmem:s12+$0x90] =	vst v5;
	v22, v59, _ =	vpop (xrf1)  }
0x68: {  	[tilespmem:s12+$0xA0] =	vst v5;
	(xrf1) =	vsort.dscd.msk.f32 $0xffff, v16, v1;
	v10 =	vsel vm0, v22, v10;
	v16 =	vsel vm0, v59, v19  }
0x69: {  	[tilespmem:s12+$0xB0] =	vst v5;
	(xrf1) =	vsort.dscd.msk.f32 $0xffff, v10, v16  }
0x6a: {  	[tilespmem:s12+$0x30] =	vst v5;
	v61, _, _ =	vpop (xrf0);
	(xrf1) =	vsort.dscd.msk.f32 $0xffff, v18, v2  }
0x6b: {  	[tilespmem:s12+$0x10] =	vst v5;
	v16, v22, _ =	vpop (xrf1);
	(xrf1) =	vsort.dscd.msk.f32 $0xffff, v28, v1;
	v28 =	vperm.xlane v29, v4;
	v29 =	vperm.xlane v30, v4  }
0x6c: {  	[tilespmem:s12+$0x0] =	vst v5;
	v33 =	vbroadcast v61, $0xF;
	v19 =	vld [tilespmem:s24+$0xFFFFFF20];
	v18, v60, _ =	vpop (xrf1)  }
0x6d: {  	[tilespmem:s12+$0x20] =	vst v5;
	(xrf0) =	vmax.scan.msk.f32 $0xffff, v13;
	v62, v35, _ =	vpop (xrf1)  }
0x6e: {  	v36 =	vld [tilespmem:s24+$0xFFFFFF10];
	[tilespmem:s12+$0xFFFFFF90] =	vst v5;
	v8 =	vsub.f32 v8, v33;
	v37, v38, _ =	vpop (xrf1)  }
0x6f: {  	[tilespmem:s12+$0xFFFFFFA0] =	vst v5;
	v26 =	vperm.xlane v26, v4;
	v30 =	vld [tilespmem:s24+$0xFFFFFF80];
	v17 =	vsel vm0, v17, v28;
	v28 =	vsel vm0, v31, v29;
	v29, v31, _ =	vpop (xrf1)  }
0x70: {  	[tilespmem:s12+$0xFFFFFF80] =	vst v5;
	v29 =	vperm.xlane v29, v4;
	v39, v40, _ =	vpop (xrf1);
	v31 =	vperm.xlane v31, v4  }
0x71: {  	[tilespmem:s12+$0xFFFFFFB0] =	vst v5;
	v26 =	vsel vm0, v11, v26;
	(xrf1) =	vsort.dscd.msk.f32 $0xffff, v19, v2;
	v11 =	vperm.xlane v18, v4;
	v18, v41, _ =	vpop (xrf1)  }
0x72: {  	v63 =	vld [tilespmem:s24+$0xFFFFFF00];
	[tilespmem:s12+$0xFFFFFF00] =	vst v5;
	v18 =	vsel vm0, v18, v29;
	v29 =	vsel vm0, v41, v31  }
0x73: {  	[tilespmem:s12+$0xFFFFFF20] =	vst v5;
	v19 =	vperm.xlane v24, v4;
	v24 =	vperm.xlane v27, v4;
	v27, _, _ =	vpop (xrf0);
	(xrf1) =	vsort.dscd.msk.f32 $0xffff, v36, v1  }
0x74: {  	[tilespmem:s12+$0xFFFFFF30] =	vst v5;
	v44 =	vmul.f32 $1.442695020e+00, v8;
	(xrf1) =	vsort.dscd.msk.f32 $0xffff, v30, v0;
	v31, v8, _ =	vpop (xrf1)  }
0x75: {  	[tilespmem:s12+$0xFFFFFF10] =	vst v5;
	(xrf0) =	vmax.scan.msk.f32 $0xffff, v23;
	v30, v45, _ =	vpop (xrf1)  }
0x76: {  	s13 =	simm.s32 $0x180;
	v25 =	vperm.xlane v25, v4;
	v10 =	vand.u32 $0xFFFFFF80, v6;
	v46 =	vperm.xlane v35, v4;
	(xrf1) =	vsort.dscd.msk.f32 $0xffff, v18, v29;
	v18, v29, _ =	vpop (xrf1)  }
0x77: {  	v10 =	vadd.s32 s13, v10;
	s13 =	simm.s32 $0x8300;
	v15 =	vsel vm0, v15, v24;
	v24 =	vperm.xlane v60, v4;
	(xrf1) =	vsort.dscd.msk.f32 $0xffff, v63, v0;
	v47, v48, _ =	vpop (xrf1)  }
0x78: {  	[tilespmem:s13+$0xFFFFFF90] =	vst v5;
	v16 =	vsel vm0, v16, v11;
	v39 =	vperm.xlane v39, v4;
	v40 =	vperm.xlane v40, v4;
	v49, v11, _ =	vpop (xrf1)  }
0x79: {  	[tilespmem:s13+$0xFFFFFFA0] =	vst v5;
	v22 =	vsel vm0, v22, v24;
	v24 =	vperm.xlane v62, v4;
	(xrf1) =	vsort.dscd.msk.f32 $0xffff, v17, v28;
	v28, v50, _ =	vpop (xrf1)  }
0x7a: {  	[tilespmem:s13+$0x30] =	vst v5;
	(xrf1) =	vsort.dscd.msk.f32 $0xffff, v16, v22;
	v22 =	vsel vm0, v28, v39;
	v28 =	vsel vm0, v50, v40  }
0x7b: {  	(erf) = vpow2.f32 v44;
	[tilespmem:s13+$0x80] =	vst v5;
	(xrf0) =	vmax.scan.msk.f32 $0xffff, v31;
	v17 =	vperm.xlane v47, v4;
	v16, _, _ =	vpop (xrf0)  }
0x7c: {  	(xrf1) =	vsort.dscd.msk.f32 $0xffff, v26, v15;
	v15 =	vbroadcast v16, $0xF;
	v16 =	vsel vm0, v18, v24;
	v18 =	vsel vm0, v29, v46  }
0x7d: {  	[tilespmem:s13+$0x10] =	vst v5;
	v35 =	vperm.xlane v48, v4;
	v24 =	vperm.xlane v38, v4;
	(xrf1) =	vsort.dscd.msk.f32 $0xffff, v22, v28  }
0x7e: {  	v14 =	vsel vm0, v14, v25;
	[tilespmem:s13+$0x90] =	vst v5;
	v22 =	vperm.xlane v37, v4;
	(xrf1) =	vsort.dscd.msk.f32 $0xffff, v16, v18;
	v26, v28, _ =	vpop (xrf1)  }
0x7f: {  	(xrf0) =	vmax.scan.msk.f32 $0xffff, v49;
	v15 =	vsub.f32 v23, v15;
	v16 =	vsel vm0, v30, v17;
	v17 =	vsel vm0, v45, v35;
	v18, v23, _ =	vpop (xrf1)  }
0x80: {  	[tilespmem:s13+$0xA0] =	vst v5;
	(xrf1) =	vsort.dscd.msk.f32 $0xffff, v16, v17;
	v23 =	vsel vm0, v23, v24;
	v18 =	vsel vm0, v18, v22  }
0x81: {  	s18 =	simm.s32 $0x700;
	[tilespmem:s13+$0xB0] =	vst v5;
	v22 =	vperm.xlane v26, v4;
	v24, v26, _ =	vpop (xrf1);
	(xrf1) =	vsort.dscd.msk.f32 $0xffff, v18, v23;
	v23 =	vperm.xlane v28, v4  }
0x82: {  	[tilespmem:s13+$0xFFFFFF00] =	vst v5;
	v27 =	vbroadcast v27, $0xF;
	v29 =	vld [tilespmem:s18+$0x80];
	v18 =	vsel vm0, v12, v19;
	v12 =	vmul.f32 $1.442695020e+00, v15;
	v28, v30, _ =	vpop (xrf1)  }
0x83: {  	s26 =	simm.s32 $0x80;
	v51 =	vld [tilespmem:s18+$0x90];
	[tilespmem:s13+$0xFFFFFF80] =	vst v5;
	v16, _, _ =	vpop (xrf0);
	v15 =	vand.u32 $0xFFFFFF80, v9;
	v22 =	vsel vm0, v28, v22;
	v23 =	vsel vm0, v30, v23  }
0x84: {  	s28 =	simm.s32 $0x380;
	[tilespmem:s13+$0x0] =	vst v5;
	v19 =	vadd.s32 s26, v15;
	v15 =	vand.u32 $0xFFFFFF80, v8;
	v30, v52, _ =	vpop (xrf1);
	(xrf1) =	vsort.dscd.msk.f32 $0xffff, v22, v23  }
0x85: {  	v54 =	vld [tilespmem:s18+$0x30];
	(erf) = vpow2.f32 v12;
	v12 =	vadd.s32 s28, v15;
	v15 =	vbroadcast v16, $0xF;
	v16, v53, _ =	vpop (xrf1);
	(xrf1) =	vsort.dscd.msk.f32 $0xffff, v18, v14  }
0x86: {  	[tilespmem:s13+$0x20] =	vst v5;
	v23 =	vsub.f32 v13, v27;
	v27, _, _ =	vpop (xrf0);
	v14 =	vperm.xlane v26, v4  }
0x87: {  	v55 =	vld [tilespmem:s18+$0xFFFFFF30];
	[tilespmem:s13+$0xFFFFFFB0] =	vst v5;
	v28 =	vsub.f32 v31, v15;
	v15 =	vbroadcast v27, $0xF;
	(xrf1) =	vsort.dscd.msk.f32 $0xffff, v29, v0  }
0x88: {  	[tilespmem:s13+$0xFFFFFF20] =	vst v5;
	v17 =	vand.u32 $0xFFFFFF80, v7;
	v26, v13, _ =	vpop (xrf1);
	(xrf1) =	vsort.dscd.msk.f32 $0xffff, v51, v1  }
0x89: {  	v56 =	vld [tilespmem:s18+$0xB0];
	v25 =	vpop (erf);
	v24 =	vperm.xlane v24, v4;
	(xrf0) =	vmax.scan.msk.f32 $0xffff, v26;
	v23 =	vmul.f32 $1.442695020e+00, v23;
	v15 =	vsub.f32 v49, v15  }
0x8a: {  	s29 =	simm.s32 $0x0;
	v22 =	vand.u32 $0xFFFFFF80, v11;
	v42 =	vperm.xlane v30, v4;
	v30 =	vperm.xlane v52, v4;
	v31 =	vld [tilespmem:s18+$0xFFFFFFB0];
	v57, v29, _ =	vpop (xrf1);
	(xrf1) =	vsort.dscd.msk.f32 $0xffff, v54, v3  }
0x8b: {  	v58 =	vld [tilespmem:s18+$0xA0];
	[tilespmem:s13+$0xFFFFFF30] =	vst v5;
	v18 =	vadd.s32 s29, v22;
	v22 =	vsel vm0, v53, v14;
	(erf) = vpow2.f32 v23;
	v27, v14, _ =	vpop (xrf1)  }
0x8c: {  	s25 =	simm.s32 $0x100;
	s30 =	simm.s32 $0x300;
	v24 =	vsel vm0, v16, v24;
	v16 =	vand.u32 $0xFFFFFF80, v13;
	v61 =	vmul.f32 $1.442695020e+00, v15;
	v60, v59, _ =	vpop (xrf1);
	(xrf1) =	vsort.dscd.msk.f32 $0xffff, v55, v3  }
0x8d: {  	[tilespmem:s13+$0xFFFFFF10] =	vst v5;
	v17 =	vadd.s32 s25, v17;
	v16 =	vadd.s32 s30, v16;
	v15, v36, _ =	vpop (xrf1)  }
0x8e: {  	v41 =	vld [tilespmem:s18+$0x0];
	v30 =	vsel vm0, v29, v30;
	(xrf1) =	vsort.dscd.msk.f32 $0xffff, v56, v3;
	v63 =	vpop (erf);
	(erf) = vpow2.f32 v61;
	v23 =	vperm.xlane v15, v4  }
0x8f: {  	s31 =	simm.s32 $0x280;
	s17 =	simm.s32 $0x10100;
	v40 =	vld [tilespmem:s18+$0x20];
	v38 =	vsel vm0, v57, v42;
	v62 =	vand.u32 $0xFFFFFF80, v14;
	(xrf1) =	vsort.dscd.msk.f32 $0xffff, v31, v3;
	v43 =	vperm.xlane v36, v4;
	v31, v44, _ =	vpop (xrf1)  }
0x90: {  	s16 =	simm.s32 $0x8;
	s19 =	simm.s32 $0x10;
	s15 =	simm.s32 $0x200;
	v39 =	vld [tilespmem:s18+$0xFFFFFFA0];
	v37 =	vperm.xlane v60, v4;
	v32, _, _ =	vpop (xrf0);
	(xrf1) =	vsort.dscd.msk.f32 $0xffff, v58, v2;
	v31 =	vsel vm0, v31, v23;
	v23 =	vnsel vm0, $0x0, v63  }
0x91: {  	s14 =	simm.s32 $0x10300;
	s12 =	simm.s32 $0xC;
	s11 =	simm.s32 $0x10300;
	v29 =	vld [tilespmem:s18+$0x10];
	v15 =	vadd.s32 s31, v62;
	v36 =	vperm.xlane v59, v4;
	v35, v34, _ =	vpop (xrf1);
	v33 =	vsel vm0, v44, v43;
	(xrf2) =	vadd.scan.msk.f32 $0xffff, v23  }
.LBB2_2:
0x92: {  	p0 =	slt.u32 s19, $0xFC;
	v45, v43, _ =	vpop (xrf1);
	(xrf1) =	vsort.dscd.msk.f32 $0xffff, v38, v30;
	s13 =	sadd.s32 $0x200, s13;
	s11 =	sadd.s32 $0x200, s11  }
0x93: {  	s20 =	smov.u32 s19;
	s19 =	sadd.s32 $0x4, s19;
	v44 =	vld [tilespmem:s18+$0xFFFFFF90];
	v37 =	vsel vm0, v45, v37;
	v38 =	vsel vm0, v43, v36;
	[tilespmem:s13+$0xFFFFFF90] =	vst v5;
	v30, v42, _ =	vpop (xrf1);
	(xrf0) =	vmax.scan.msk.f32 $0xffff, v27  }
0x94: {  	v28 =	vmul.f32 $1.442695020e+00, v28;
	v43 =	vld [tilespmem:s18+$0xFFFFFF20];
	(xrf1) =	vsort.dscd.msk.f32 $0xffff, v41, v0;
	[tilespmem:s13+$0xFFFFFFA0] =	vst v5;
	v36 =	vpop (erf)  }
0x95: {  	v20 =	vperm.xlane v20, v4;
	v21 =	vperm.xlane v21, v4;
	(xrf1) =	vsort.dscd.msk.f32 $0xffff, v40, v2;
	v40, v41, _ =	vpop (xrf1);
	v36 =	vnsel vm0, $0x0, v36  }
0x96: {  	v45 =	vld [tilespmem:s18+$0xFFFFFF80];
	(xrf1) =	vsort.dscd.msk.f32 $0xffff, v29, v1;
	v46, v47, _ =	vpop (xrf1);
	[tilespmem:s13+$0x30] =	vst v5;
	(erf) = vpow2.f32 v28;
	v29 =	vnsel vm0, $0x0, v25  }
0x97: {  	v49 =	vsel vm0, v30, v20;
	v48 =	vsel vm0, v42, v21;
	[tilespmem:s13+$0x80] =	vst v5;
	v25 =	vpop (erf);
	(xrf2) =	vadd.scan.msk.f32 $0xffff, v36  }
0x98: {  	v28 =	vperm.xlane v46, v4;
	v42, v46, _ =	vpop (xrf1);
	[tilespmem:s13+$0x10] =	vst v5;
	(xrf1) =	vsort.dscd.msk.f32 $0xffff, v49, v48;
	v30 =	vnsel vm0, $0x0, v25  }
0x99: {  	v20 =	vmov v35;
	v48 =	vperm.xlane v47, v4;
	(xrf1) =	vsort.dscd.msk.f32 $0xffff, v39, v2;
	[tilespmem:s13+$0x90] =	vst v5;
	v21, _, _ =	vpop (xrf0)  }
0x9a: {  	v28 =	vsel vm0, v40, v28;
	v35 =	vld [tilespmem:s18+$0xFFFFFF10];
	v39, v40, _ =	vpop (xrf1);
	[tilespmem:s13+$0xA0] =	vst v5;
	v47 =	vbroadcast v21, $0xF;
	v21 =	vmov v34  }
0x9b: {  	v41 =	vsel vm0, v41, v48;
	[tilespmem:s13+$0xB0] =	vst v5;
	v25, _, _ =	vpop (xrf2);
	(xrf2) =	vadd.scan.msk.f32 $0xffff, v29  }
0x9c: {  	v42 =	vperm.xlane v42, v4;
	(xrf1) =	vsort.dscd.msk.f32 $0xffff, v44, v1;
	v34, v44, _ =	vpop (xrf1);
	v27 =	vsub.f32 v27, v47;
	v47 =	vbroadcast v25, $0xF  }
0x9d: {  	v48 =	vld [tilespmem:s18+$0xFFFFFF00];
	v52 =	vperm.xlane v34, v4;
	v49, v50, _ =	vpop (xrf1);
	[tilespmem:s13+$0xFFFFFF00] =	vst v5  }
0x9e: {  	v53 =	vperm.xlane v44, v4;
	v44, v51, _ =	vpop (xrf1);
	[tilespmem:s13+$0xFFFFFF80] =	vst v5;
	(xrf2) =	vadd.scan.msk.f32 $0xffff, v30  }
0x9f: {  	v46 =	vperm.xlane v46, v4;
	v44 =	vsel vm0, v44, v52;
	(xrf1) =	vsort.dscd.msk.f32 $0xffff, v43, v2;
	[tilespmem:s13+$0x0] =	vst v5;
	v25 =	vpop (erf)  }
0xa0: {  	s21 =	sshll.u32 s16, $0x7;
	s16 =	smov.u32 s12;
	s12 =	smov.u32 s20;
	v43 =	vsel vm0, v51, v53;
	(xrf1) =	vsort.dscd.msk.f32 $0xffff, v35, v1;
	[tilespmem:s13+$0x20] =	vst v5;
	v35, v34, _ =	vpop (xrf1);
	(erf) = vrcp.f32 v47  }
0xa1: {  	s20 =	sadd.s32 $0x180, s21;
	(xrf1) =	vsort.dscd.msk.f32 $0xffff, v45, v0;
	[tilespmem:s13+$0xFFFFFFB0] =	vst v5;
	v54 =	vand.u32 $0xFFFFFF80, v34;
	v47, _, _ =	vpop (xrf2)  }
0xa2: {  	v51, v52, _ =	vpop (xrf1);
	(xrf1) =	vsort.dscd.msk.f32 $0xffff, v44, v43;
	[tilespmem:s13+$0xFFFFFF20] =	vst v5;
	v43 =	vadd.s32 s20, v54  }
0xa3: {  	v44, v45, _ =	vpop (xrf1);
	[tilespmem:s13+$0xFFFFFF30] =	vst v5  }
0xa4: {  	v60 =	vbroadcast v32, $0xF;
	v39 =	vperm.xlane v39, v4;
	v54 =	vand.u32 $0x7F, v7;
	(xrf1) =	vsort.dscd.msk.f32 $0xffff, v48, v0;
	v48, v53, _ =	vpop (xrf1)  }
0xa5: {  	v55 =	vand.u32 $0x7F, v9;
	v47 =	vbroadcast v47, $0xF;
	v48 =	vperm.xlane v48, v4;
	(xrf0) =	vmax.scan.msk.f32 $0xffff, v35;
	v56, _, _ =	vpop (xrf2)  }
0xa6: {  	v57 =	vsub.f32 v26, v60;
	v40 =	vperm.xlane v40, v4;
	[tilespmem:s13+$0xFFFFFF10] =	vst v5;
	v58, v32, _ =	vpop (xrf1);
	v26 =	vbroadcast v56, $0xF  }
0xa7: {  	v19 =	vor.u32 v55, v19;
	v60 =	vand.u32 $0x7F, v11;
	v49 =	vperm.xlane v49, v4;
	v56, v59, _ =	vpop (xrf1)  }
0xa8: {  	v42 =	vsel vm0, v44, v42;
	v53 =	vperm.xlane v53, v4;
	v44, _, _ =	vpop (xrf2);
	(erf) = vrcp.f32 v47  }
0xa9: {  	v47 =	vsel vm0, v56, v49;
	v49 =	vperm.xlane v50, v4;
	(xrf1) =	vsort.dscd.msk.f32 $0xffff, v31, v33;
	v31 =	vbroadcast v44, $0xF;
	v33 =	vpop (erf)  }
0xaa: {  	v44 =	vsel vm0, v45, v46;
	v45, v46, _ =	vpop (xrf1);
	(xrf1) =	vsort.dscd.msk.f32 $0xffff, v28, v41;
	v28 =	vand.u32 $0xFFFFFF80, v32;
	v23 =	vmul.f32 v33, v23  }
0xab: {  	v49 =	vsel vm0, v59, v49;
	(xrf1) =	vsort.dscd.msk.f32 $0xffff, v37, v38;
	v37, _, _ =	vpop (xrf0);
	v38 =	vadd.s32 s15, v28;
	(erf) = vrcp.f32 v26;
	s15 =	smov.u32 s21  }
0xac: {  	v26 =	vsel vm0, v51, v48;
	v28 =	vsel vm0, v52, v53;
	(xrf1) =	vsort.dscd.msk.f32 $0xffff, v47, v49;
	(erf) = vrcp.f32 v31  }
0xad: {  	v31 =	vperm.xlane v45, v4;
	v45 =	vor.u32 v60, v18;
	v33, v41, _ =	vpop (xrf1);
	(xrf0) =	vmax.scan.msk.f32 $0xffff, v58;
	[tilespmem:v19+s8+$0x0] =	vst.idx.msk $0xff, v23  }
0xae: {  	s18 =	sadd.s32 $0x200, s18;
	v19 =	vperm.xlane v46, v4;
	v18 =	vsel vm0, v41, v40;
	v23, v40, _ =	vpop (xrf1);
	(xrf1) =	vsort.dscd.msk.f32 $0xffff, v42, v44;
	[tilespmem:s17+$0xFFFFFF80] =	vst v9  }
0xaf: {  	v47 =	vand.u32 $0x7F, v6;
	v33 =	vsel vm0, v33, v39;
	v42 =	vor.u32 v54, v17;
	v9 =	vld [tilespmem:s18+$0x80];
	v46, v41, _ =	vpop (xrf1)  }
0xb0: {  	v44 =	vld [tilespmem:s18+$0x90];
	v31 =	vsel vm0, v46, v31;
	v19 =	vsel vm0, v41, v19;
	(xrf1) =	vsort.dscd.msk.f32 $0xffff, v26, v28;
	v26, v39, _ =	vpop (xrf1);
	v28 =	vbroadcast v37, $0xF  }
0xb1: {  	v37 =	vld [tilespmem:s18+$0xA0];
	(xrf1) =	vsort.dscd.msk.f32 $0xffff, v33, v18;
	v33 =	vor.u32 v47, v10;
	v17 =	vpop (erf);
	v10 =	vmov v12;
	v12 =	vmov v43  }
0xb2: {  	v27 =	vmul.f32 $1.442695020e+00, v27;
	v43 =	vld [tilespmem:s18+$0xB0];
	v41, v46, _ =	vpop (xrf1);
	v28 =	vsub.f32 v35, v28;
	v35 =	vmul.f32 v17, v36  }
0xb3: {  	v40 =	vperm.xlane v40, v4;
	v18 =	vmov v38;
	v17 =	vmov v16;
	v36 =	vld [tilespmem:s18+$0x30];
	(xrf1) =	vsort.dscd.msk.f32 $0xffff, v31, v19;
	v19, _, _ =	vpop (xrf0)  }
0xb4: {  	v47 =	vperm.xlane v23, v4;
	v31 =	vld [tilespmem:s18+$0xFFFFFFB0];
	(xrf1) =	vsort.dscd.msk.f32 $0xffff, v24, v22;
	(erf) = vpow2.f32 v27;
	[tilespmem:v42+s8+$0x0] =	vst.idx.msk $0xff, v35;
	v22 =	vpop (erf)  }
0xb5: {  	v38 =	vperm.xlane v26, v4;
	v23 =	vld [tilespmem:s18+$0xFFFFFF30];
	[tilespmem:s17+$0x0] =	vst v7;
	v24 =	vmul.f32 v22, v29;
	v26 =	vpop (erf);
	v7 =	vmov v13  }
0xb6: {  	v22 =	vsel vm0, v46, v40;
	(xrf1) =	vsort.dscd.msk.f32 $0xffff, v9, v0;
	v29 =	vmul.f32 v26, v30;
	v9 =	vmov v14  }
0xb7: {  	v39 =	vperm.xlane v39, v4;
	v19 =	vbroadcast v19, $0xF;
	(xrf1) =	vsort.dscd.msk.f32 $0xffff, v44, v1;
	v26, v13, _ =	vpop (xrf1);
	[tilespmem:v33+s8+$0x0] =	vst.idx.msk $0xff, v24  }
0xb8: {  	s20 =	sadd.s32 $0x100, s15;
	v24 =	vsel vm0, v41, v47;
	v33 =	vmul.f32 $1.442695020e+00, v57;
	v42, v16, _ =	vpop (xrf1);
	v40 =	vand.u32 $0xFFFFFF80, v13;
	[tilespmem:s17+$0x80] =	vst v6  }
0xb9: {  	v46 =	vsub.f32 v58, v19;
	(xrf1) =	vsort.dscd.msk.f32 $0xffff, v36, v3;
	v30 =	vsel vm0, v16, v39;
	v16 =	vadd.s32 s20, v40;
	v27, v14, _ =	vpop (xrf1)  }
0xba: {  	s20 =	sadd.s32 $0x80, s15;
	v44, v35, _ =	vpop (xrf1);
	v41 =	vand.u32 $0xFFFFFF80, v14;
	(xrf0) =	vmax.scan.msk.f32 $0xffff, v26;
	(erf) = vpow2.f32 v33;
	[tilespmem:v45+s8+$0x0] =	vst.idx.msk $0xff, v29  }
0xbb: {  	v47 =	vmul.f32 $1.442695020e+00, v46;
	v6 =	vmovc v8;
	v29 =	vld [tilespmem:s18+$0x10];
	(xrf1) =	vsort.dscd.msk.f32 $0xffff, v23, v3;
	v23 =	vadd.s32 s20, v41;
	[tilespmem:s17+$0xFFFFFF00] =	vst v11;
	s17 =	smov.u32 s14;
	s14 =	smov.u32 s11  }
.Ltmp0:
0xbc: {  	v8 =	vmov v34;
	v19 =	vmov v15;
	v11 =	vmov v32;
	v40 =	vld [tilespmem:s18+$0x20];
	v36, v39, _ =	vpop (xrf1);
	(pc) =	sbr.rel @p0 .LBB2_2-.Ltmp0, $4  }
0xbd: {  	v15 =	vmov v23;
	v41 =	vld [tilespmem:s18+$0x0];
	(xrf1) =	vsort.dscd.msk.f32 $0xffff, v43, v3;
	v46 =	vperm.xlane v36, v4;
	(erf) = vpow2.f32 v47;
	v33 =	vpop (erf)  }
0xbe: {  	v43 =	vperm.xlane v39, v4;
	(xrf1) =	vsort.dscd.msk.f32 $0xffff, v31, v3;
	v23, v45, _ =	vpop (xrf1)  }
0xbf: {  	v36 =	vperm.xlane v35, v4;
	v39 =	vld [tilespmem:s18+$0xFFFFFFA0];
	(xrf1) =	vsort.dscd.msk.f32 $0xffff, v37, v2;
	v31 =	vsel vm0, v23, v46;
	v35, v34, _ =	vpop (xrf1);
	v23 =	vnsel vm0, $0x0, v33  }
0xc0: {  	v38 =	vsel vm0, v42, v38;
	v37 =	vperm.xlane v44, v4;
	v33 =	vsel vm0, v45, v43;
	v32, _, _ =	vpop (xrf0);
	(xrf2) =	vadd.scan.msk.f32 $0xffff, v23  }
0xc1: {  	_ = 	snop  }
0xc2: {  	(xrf1) =	vsort.dscd.msk.f32 $0xffff, v38, v30;
	v38, v42, _ =	vpop (xrf1)  }
0xc3: {  	v20 =	vperm.xlane v20, v4;
	v21 =	vperm.xlane v21, v4;
	(xrf1) =	vsort.dscd.msk.f32 $0xffff, v41, v0;
	v53, v54, _ =	vpop (xrf1)  }
0xc4: {  	(xrf1) =	vsort.dscd.msk.f32 $0xffff, v40, v2;
	v45 =	vpop (erf)  }
0xc5: {  	v55 =	vld [tilespmem:s18+$0xFFFFFF90];
	v20 =	vsel vm0, v53, v20;
	v21 =	vsel vm0, v54, v21;
	v43, v44, _ =	vpop (xrf1);
	(xrf1) =	vsort.dscd.msk.f32 $0xffff, v29, v1  }
0xc6: {  	v56 =	vld [tilespmem:s18+$0xFFFFFF20];
	v30 =	vnsel vm0, $0x0, v45;
	v41, v46, _ =	vpop (xrf1);
	(xrf1) =	vsort.dscd.msk.f32 $0xffff, v20, v21  }
0xc7: {  	v57 =	vld [tilespmem:s18+$0xFFFFFF10];
	(xrf2) =	vadd.scan.msk.f32 $0xffff, v30  }
0xc8: {  	v58 =	vld [tilespmem:s18+$0xFFFFFF80]  }
0xc9: {  	v45, v47, _ =	vpop (xrf1);
	(xrf1) =	vsort.dscd.msk.f32 $0xffff, v39, v2  }
0xca: {  	v48, v49, _ =	vpop (xrf1);
	(xrf1) =	vsort.dscd.msk.f32 $0xffff, v55, v1  }
0xcb: {  	v59, v50, _ =	vpop (xrf1);
	(xrf1) =	vsort.dscd.msk.f32 $0xffff, v56, v2  }
0xcc: {  	v51, v52, _ =	vpop (xrf1);
	(xrf1) =	vsort.dscd.msk.f32 $0xffff, v57, v1  }
0xcd: {  	v60 =	vperm.xlane v59, v4;
	v61 =	vperm.xlane v50, v4;
	v62, v63, _ =	vpop (xrf1);
	(xrf1) =	vsort.dscd.msk.f32 $0xffff, v58, v0  }
0xce: {  	v28 =	vmul.f32 $1.442695020e+00, v28;
	v39 =	vpop (erf)  }
0xcf: {  	(xrf0) =	vmax.scan.msk.f32 $0xffff, v27;
	v54, _, _ =	vpop (xrf2);
	v57 =	vld [tilespmem:s18+$0xFFFFFF00];
	v40 =	vsel vm0, v62, v60;
	v29 =	vsel vm0, v63, v61  }
0xd0: {  	(erf) = vpow2.f32 v28;
	v28 =	vnsel vm0, $0x0, v25;
	v45 =	vperm.xlane v45, v4;
	v25, v20, _ =	vpop (xrf1);
	(xrf1) =	vsort.dscd.msk.f32 $0xffff, v40, v29  }
0xd1: {  	(xrf2) =	vadd.scan.msk.f32 $0xffff, v28;
	v59 =	vbroadcast v54, $0xF;
	v58 =	vperm.xlane v41, v4;
	v29 =	vnsel vm0, $0x0, v39;
	v63, _, _ =	vpop (xrf2)  }
0xd2: {  	v37 =	vsel vm0, v38, v37;
	v51 =	vperm.xlane v51, v4;
	v52 =	vperm.xlane v52, v4;
	v41, v50, _ =	vpop (xrf1);
	(xrf2) =	vadd.scan.msk.f32 $0xffff, v29  }
0xd3: {  	v60 =	vperm.xlane v46, v4;
	(erf) = vrcp.f32 v59;
	v59 =	vsel vm0, v42, v36;
	(xrf0) =	vmax.scan.msk.f32 $0xffff, v25;
	v46, v54, _ =	vpop (xrf1)  }
0xd4: {  	v40 =	vsel vm0, v43, v58;
	v43 =	vperm.xlane v47, v4;
	(xrf1) =	vsort.dscd.msk.f32 $0xffff, v57, v0;
	v62, v61, _ =	vpop (xrf1)  }
0xd5: {  	v38 =	vsel vm0, v44, v60;
	v57 =	vperm.xlane v48, v4;
	v55, v21, _ =	vpop (xrf1);
	(xrf1) =	vsort.dscd.msk.f32 $0xffff, v31, v33  }
0xd6: {  	v53, _, _ =	vpop (xrf0);
	v60 =	vbroadcast v63, $0xF;
	v63 =	vsel vm0, v46, v45;
	v39 =	vperm.xlane v61, v4;
	(xrf1) =	vsort.dscd.msk.f32 $0xffff, v40, v38  }
0xd7: {  	v58 =	vperm.xlane v62, v4;
	v62 =	vperm.xlane v49, v4;
	v36, v42, _ =	vpop (xrf1);
	(xrf1) =	vsort.dscd.msk.f32 $0xffff, v37, v59  }
0xd8: {  	(xrf0) =	vmax.scan.msk.f32 $0xffff, v55;
	v39 =	vsel vm0, v50, v39;
	v36 =	vsel vm0, v36, v51;
	v61 =	vsel vm0, v42, v52;
	v49, v46, _ =	vpop (xrf1)  }
0xd9: {  	v51 =	vsel vm0, v54, v43;
	v52 =	vsel vm0, v41, v58;
	(xrf1) =	vsort.dscd.msk.f32 $0xffff, v36, v61;
	v56, v54, _ =	vpop (xrf1)  }
0xda: {  	v33 =	vperm.xlane v49, v4;
	v42 =	vperm.xlane v46, v4;
	(xrf1) =	vsort.dscd.msk.f32 $0xffff, v63, v51;
	v45, v46, _ =	vpop (xrf1)  }
0xdb: {  	(xrf1) =	vsort.dscd.msk.f32 $0xffff, v52, v39;
	v31 =	vsel vm0, v54, v62;
	v57 =	vsel vm0, v56, v57;
	v58, v59, _ =	vpop (xrf1)  }
0xdc: {  	v38 =	vpop (erf);
	(xrf1) =	vsort.dscd.msk.f32 $0xffff, v57, v31;
	v33 =	vsel vm0, v58, v33;
	v61 =	vsel vm0, v59, v42  }
0xdd: {  	(erf) = vrcp.f32 v60;
	v60, _, _ =	vpop (xrf2);
	v51 =	vbroadcast v53, $0xF;
	(xrf1) =	vsort.dscd.msk.f32 $0xffff, v33, v61  }
0xde: {  	v50, v63, _ =	vpop (xrf1);
	(xrf1) =	vsort.dscd.msk.f32 $0xffff, v24, v22  }
0xdf: {  	v37, _, _ =	vpop (xrf0);
	v22 =	vsub.f32 v27, v51  }
0xe0: {  	v40 =	vpop (erf);
	v53 =	vbroadcast v32, $0xF  }
0xe1: {  	v62, _, _ =	vpop (xrf2)  }
0xe2: {  	v56, _, _ =	vpop (xrf0);
	v26 =	vsub.f32 v26, v53  }
0xe3: {  	v52 =	vbroadcast v60, $0xF;
	v31 =	vbroadcast v62, $0xF;
	v41, v43, _ =	vpop (xrf1)  }
0xe4: {  	v26 =	vmul.f32 $1.442695020e+00, v26;
	v54 =	vmul.f32 $1.442695020e+00, v22;
	v27, v22, _ =	vpop (xrf1)  }
0xe5: {  	(erf) = vrcp.f32 v52;
	v58, v57, _ =	vpop (xrf1)  }
0xe6: {  	(erf) = vrcp.f32 v31;
	v47, v24, _ =	vpop (xrf1)  }
0xe7: {  	(erf) = vpow2.f32 v54;
	v48, v49, _ =	vpop (xrf1)  }
0xe8: {  	v33 =	vperm.xlane v50, v4;
	(erf) = vpow2.f32 v26;
	v26, v50, _ =	vpop (xrf1)  }
0xe9: {  	v32 =	vbroadcast v56, $0xF;
	v51, v52, _ =	vpop (xrf1)  }
0xea: {  	v36 =	vperm.xlane v63, v4;
	v53, v54, _ =	vpop (xrf1)  }
0xeb: {  	v60 =	vperm.xlane v34, v4;
	v59 =	vperm.xlane v35, v4;
	v32 =	vsub.f32 v55, v32;
	v55, v56, _ =	vpop (xrf1)  }
0xec: {  	v36 =	vsel vm0, v57, v36;
	v31 =	vsel vm0, v58, v33;
	v62, v61, _ =	vpop (xrf1)  }
0xed: {  	v32 =	vmul.f32 $1.442695020e+00, v32;
	(xrf1) =	vsort.dscd.msk.f32 $0xffff, v31, v36;
	v31 =	vsel vm0, v62, v59;
	v63 =	vsel vm0, v61, v60  }
0xee: {  	(xrf1) =	vsort.dscd.msk.f32 $0xffff, v31, v63  }
0xef: {  	v39 =	vpop (erf);
	(erf) = vpow2.f32 v32  }
0xf0: {  	v44 =	vpop (erf)  }
0xf1: {  	v42 =	vpop (erf)  }
0xf2: {  	v35 =	vpop (erf)  }
0xf3: {  	v35 =	vnsel vm0, $0x0, v35  }
0xf4: {  	v36 =	vpop (erf);
	(xrf2) =	vadd.scan.msk.f32 $0xffff, v35  }
0xf5: {  	(xrf0) =	vmax.scan.msk.f32 $0xffff, v27;
	v34 =	vnsel vm0, $0x0, v36  }
0xf6: {  	v33 =	vnsel vm0, $0x0, v38;
	v26 =	vperm.xlane v26, v4;
	(xrf2) =	vadd.scan.msk.f32 $0xffff, v34  }
0xf7: {  	v59 =	vperm.xlane v50, v4;
	(xrf2) =	vadd.scan.msk.f32 $0xffff, v33  }
0xf8: {  	v26 =	vsel vm0, v51, v26;
	v38 =	vpop (erf)  }
0xf9: {  	v57 =	vbroadcast v37, $0xF;
	(xrf0) =	vmax.scan.msk.f32 $0xffff, v47;
	v32 =	vnsel vm0, $0x0, v38;
	v37 =	vsel vm0, v52, v59  }
0xfa: {  	(xrf2) =	vadd.scan.msk.f32 $0xffff, v32  }
0xfb: {  	v61 =	vperm.xlane v48, v4;
	v31 =	vsub.f32 v25, v57;
	(xrf1) =	vsort.dscd.msk.f32 $0xffff, v26, v37;
	v48, v25, _ =	vpop (xrf1)  }
0xfc: {  	v60 =	vperm.xlane v49, v4;
	(xrf0) =	vmax.scan.msk.f32 $0xffff, v48;
	v37, v26, _ =	vpop (xrf1)  }
0xfd: {  	v45 =	vperm.xlane v45, v4;
	v58 =	vperm.xlane v46, v4;
	v51, _, _ =	vpop (xrf0);
	(xrf0) =	vmax.scan.msk.f32 $0xffff, v37  }
0xfe: {  	v46 =	vsel vm0, v55, v61;
	v38 =	vsel vm0, v56, v60;
	v31 =	vmul.f32 $1.442695020e+00, v31;
	v62, _, _ =	vpop (xrf2)  }
0xff: {  	v36 =	vsel vm0, v43, v58;
	v63 =	vsel vm0, v41, v45;
	v55, _, _ =	vpop (xrf0);
	(xrf1) =	vsort.dscd.msk.f32 $0xffff, v46, v38;
	v49 =	vbroadcast v62, $0xF  }
0x100: {  	v59 =	vbroadcast v51, $0xF;
	(erf) = vpow2.f32 v31;
	v50, _, _ =	vpop (xrf2);
	(xrf1) =	vsort.dscd.msk.f32 $0xffff, v63, v36  }
0x101: {  	v52 =	vbroadcast v50, $0xF;
	v56, _, _ =	vpop (xrf2);
	(erf) = vrcp.f32 v49  }
0x102: {  	v60, _, _ =	vpop (xrf0);
	v36 =	vbroadcast v55, $0xF  }
0x103: {  	v27 =	vsub.f32 v27, v59;
	(erf) = vrcp.f32 v52;
	v61, _, _ =	vpop (xrf0)  }
0x104: {  	v57 =	vbroadcast v56, $0xF;
	v58, _, _ =	vpop (xrf2);
	v36 =	vsub.f32 v47, v36;
	v31 =	vbroadcast v61, $0xF  }
0x105: {  	v27 =	vmul.f32 $1.442695020e+00, v27;
	v38 =	vbroadcast v58, $0xF  }
0x106: {  	(erf) = vrcp.f32 v57;
	v36 =	vmul.f32 $1.442695020e+00, v36;
	v31 =	vsub.f32 v37, v31  }
0x107: {  	(erf) = vrcp.f32 v38  }
0x108: {  	(erf) = vpow2.f32 v36;
	v31 =	vmul.f32 $1.442695020e+00, v31  }
0x109: {  	v62 =	vpop (erf)  }
0x10a: {  	v47 =	vpop (erf);
	(erf) = vpow2.f32 v27  }
0x10b: {  	v50, v27, _ =	vpop (xrf1)  }
0x10c: {  	v52 =	vperm.xlane v54, v4;
	v45 =	vpop (erf)  }
0x10d: {  	v63 =	vperm.xlane v53, v4;
	(erf) = vpow2.f32 v31;
	v51, v31, _ =	vpop (xrf1)  }
0x10e: {  	v54, v53, _ =	vpop (xrf1)  }
0x10f: {  	v46 =	vpop (erf);
	v37 =	vsel vm0, v54, v63;
	v38 =	vsel vm0, v53, v52  }
0x110: {  	s13 =	sadd.s32 $0x200, s13;
	v43 =	vpop (erf);
	(xrf1) =	vsort.dscd.msk.f32 $0xffff, v37, v38  }
0x111: {  	[tilespmem:s13+$0xFFFFFF90] =	vst v5;
	v55 =	vpop (erf)  }
0x112: {  	[tilespmem:s13+$0xFFFFFFA0] =	vst v5;
	(xrf0) =	vmax.scan.msk.f32 $0xffff, v50;
	v41 =	vnsel vm0, $0x0, v55  }
0x113: {  	[tilespmem:s13+$0x30] =	vst v5;
	v56 =	vpop (erf);
	(xrf2) =	vadd.scan.msk.f32 $0xffff, v41  }
0x114: {  	[tilespmem:s13+$0x80] =	vst v5;
	(xrf0) =	vmax.scan.msk.f32 $0xffff, v51;
	v38 =	vnsel vm0, $0x0, v56  }
0x115: {  	[tilespmem:s13+$0x10] =	vst v5;
	v37 =	vnsel vm0, $0x0, v62;
	(xrf2) =	vadd.scan.msk.f32 $0xffff, v38  }
0x116: {  	[tilespmem:s13+$0x90] =	vst v5;
	(xrf2) =	vadd.scan.msk.f32 $0xffff, v37  }
0x117: {  	[tilespmem:s13+$0xA0] =	vst v5;
	v57 =	vpop (erf)  }
0x118: {  	[tilespmem:s13+$0xB0] =	vst v5;
	v49 =	vbroadcast v60, $0xF;
	v36 =	vnsel vm0, $0x0, v57  }
0x119: {  	[tilespmem:s13+$0xFFFFFF00] =	vst v5;
	(xrf2) =	vadd.scan.msk.f32 $0xffff, v36  }
0x11a: {  	[tilespmem:s13+$0xFFFFFF80] =	vst v5;
	v48 =	vsub.f32 v48, v49  }
0x11b: {  	[tilespmem:s13+$0x0] =	vst v5;
	v58 =	vand.u32 $0x7F, v7;
	v52, _, _ =	vpop (xrf0)  }
0x11c: {  	[tilespmem:s13+$0x20] =	vst v5;
	v59 =	vand.u32 $0x7F, v9;
	v49 =	vor.u32 v58, v17;
	v61 =	vmul.f32 $1.442695020e+00, v48;
	v60, _, _ =	vpop (xrf0)  }
0x11d: {  	[tilespmem:s13+$0xFFFFFFB0] =	vst v5;
	v62, _, _ =	vpop (xrf2)  }
0x11e: {  	[tilespmem:s13+$0xFFFFFF20] =	vst v5;
	v23 =	vmul.f32 v40, v23;
	v48, v17, _ =	vpop (xrf1)  }
0x11f: {  	v30 =	vmul.f32 v39, v30;
	v19 =	vor.u32 v59, v19;
	v63 =	vbroadcast v62, $0xF;
	v59, _, _ =	vpop (xrf2);
	(xrf0) =	vmax.scan.msk.f32 $0xffff, v48  }
0x120: {  	[tilespmem:s13+$0xFFFFFF30] =	vst v5;
	(erf) = vpow2.f32 v61;
	v57 =	vand.u32 $0x7F, v6;
	v58 =	vbroadcast v60, $0xF;
	v61, _, _ =	vpop (xrf2)  }
0x121: {  	[tilespmem:v49+s8+$0x0] =	vst.idx.msk $0xff, v30;
	(erf) = vrcp.f32 v63;
	v63 =	vbroadcast v61, $0xF  }
0x122: {  	[tilespmem:s17+$0x0] =	vst v7;
	v7 =	vmul.f32 v42, v29;
	v10 =	vor.u32 v57, v10;
	v60 =	vbroadcast v59, $0xF  }
0x123: {  	[tilespmem:s13+$0xFFFFFF10] =	vst v5;
	s13 =	sadd.s32 $0x200, s13;
	v40 =	vsub.f32 v51, v58;
	v62 =	vbroadcast v52, $0xF;
	v61 =	vmul.f32 v44, v28;
	v57, _, _ =	vpop (xrf2)  }
0x124: {  	[tilespmem:s13+$0xFFFFFF90] =	vst v5;
	v58 =	vand.u32 $0x7F, v11;
	(erf) = vrcp.f32 v60;
	v59 =	vbroadcast v57, $0xF  }
0x125: {  	[tilespmem:s13+$0xFFFFFFA0] =	vst v5;
	v62 =	vsub.f32 v50, v62;
	v60 =	vmul.f32 $1.442695020e+00, v40;
	(erf) = vrcp.f32 v63;
	v63, _, _ =	vpop (xrf0)  }
0x126: {  	[tilespmem:v19+s8+$0x0] =	vst.idx.msk $0xff, v23;
	v18 =	vor.u32 v58, v18;
	(erf) = vrcp.f32 v59;
	v23 =	vbroadcast v63, $0xF  }
0x127: {  	v29 =	vmul.f32 $1.442695020e+00, v62;
	[tilespmem:v10+s8+$0x0] =	vst.idx.msk $0xff, v61;
	(erf) = vpow2.f32 v60  }
0x128: {  	[tilespmem:s17+$0x80] =	vst v6;
	v6 =	vsub.f32 v48, v23  }
0x129: {  	[tilespmem:s13+$0x30] =	vst v5;
	(erf) = vpow2.f32 v29  }
0x12a: {  	[tilespmem:s13+$0x80] =	vst v5;
	v6 =	vmul.f32 $1.442695020e+00, v6  }
0x12b: {  	[tilespmem:v18+s8+$0x0] =	vst.idx.msk $0xff, v7;
	v7 =	vpop (erf)  }
0x12c: {  	[tilespmem:s17+$0xFFFFFF80] =	vst v9;
	v9 =	vpop (erf)  }
0x12d: {  	[tilespmem:s13+$0x10] =	vst v5;
	v10 =	vpop (erf);
	(erf) = vpow2.f32 v6  }
0x12e: {  	[tilespmem:s13+$0x90] =	vst v5;
	v6 =	vpop (erf)  }
0x12f: {  	[tilespmem:s17+$0xFFFFFF00] =	vst v11;
	v11 =	vpop (erf)  }
0x130: {  	[tilespmem:s13+$0xA0] =	vst v5;
	v30 =	vpop (erf)  }
0x131: {  	[tilespmem:s13+$0xB0] =	vst v5;
	v18 =	vnsel vm0, $0x0, v30  }
0x132: {  	[tilespmem:s13+$0xFFFFFF80] =	vst v5;
	v39 =	vpop (erf);
	(xrf2) =	vadd.scan.msk.f32 $0xffff, v18  }
0x133: {  	[tilespmem:s13+$0x0] =	vst v5;
	v19 =	vnsel vm0, $0x0, v39  }
0x134: {  	[tilespmem:s13+$0x20] =	vst v5;
	v40 =	vand.u32 $0x7F, v14;
	(xrf2) =	vadd.scan.msk.f32 $0xffff, v19  }
0x135: {  	[tilespmem:s13+$0xFFFFFFB0] =	vst v5;
	v7 =	vnsel vm0, $0x0, v7;
	v15 =	vor.u32 v40, v15  }
0x136: {  	[tilespmem:s13+$0xFFFFFF00] =	vst v5;
	v51 =	vand.u32 $0x7F, v8;
	(xrf2) =	vadd.scan.msk.f32 $0xffff, v7;
	v42 =	vpop (erf)  }
0x137: {  	s16 =	sshll.u32 s16, $0x7;
	[tilespmem:s13+$0xFFFFFF20] =	vst v5;
	v12 =	vor.u32 v51, v12;
	v23 =	vnsel vm0, $0x0, v42  }
0x138: {  	s28 =	sadd.s32 $0x80, s16;
	v49 =	vand.u32 $0xFFFFFF80, v21;
	v53 =	vand.u32 $0xFFFFFF80, v24;
	v50 =	vmul.f32 v47, v35;
	(xrf2) =	vadd.scan.msk.f32 $0xffff, v23  }
0x139: {  	[tilespmem:s13+$0xFFFFFF30] =	vst v5;
	v54 =	vand.u32 $0x7F, v21;
	v35 =	vadd.s32 s28, v53;
	v59 =	vand.u32 $0x7F, v24  }
0x13a: {  	v58 =	vmul.f32 v46, v33;
	v29 =	vadd.s32 s15, v49;
	[tilespmem:v15+s8+$0x0] =	vst.idx.msk $0xff, v50;
	v15 =	vor.u32 v59, v35  }
0x13b: {  	[tilespmem:s13+$0xFFFFFF10] =	vst v5;
	v29 =	vor.u32 v54, v29;
	v48 =	vand.u32 $0x7F, v13  }
0x13c: {  	v55 =	vmul.f32 v45, v34;
	[tilespmem:v12+s8+$0x0] =	vst.idx.msk $0xff, v58;
	v16 =	vor.u32 v48, v16;
	v56, _, _ =	vpop (xrf2)  }
0x13d: {  	s26 =	sadd.s32 $0x100, s16;
	v52 =	vand.u32 $0xFFFFFF80, v22;
	[tilespmem:s14+$0x80] =	vst v8;
	v40 =	vmul.f32 v9, v41;
	v60 =	vbroadcast v56, $0xF  }
0x13e: {  	v33 =	vand.u32 $0x7F, v22;
	v62 =	vmul.f32 v43, v32;
	v57 =	vadd.s32 s26, v52;
	[tilespmem:s14+$0xFFFFFF80] =	vst v14;
	v63, _, _ =	vpop (xrf2)  }
0x13f: {  	v41 =	vor.u32 v33, v57;
	[tilespmem:v15+s8+$0x0] =	vst.idx.msk $0xff, v40;
	v35 =	vbroadcast v63, $0xF;
	(erf) = vrcp.f32 v60  }
0x140: {  	s25 =	sadd.s32 $0x180, s16;
	v46 =	vand.u32 $0x7F, v26;
	v43 =	vand.u32 $0x7F, v20;
	v44 =	vand.u32 $0xFFFFFF80, v20;
	[tilespmem:v29+s8+$0x0] =	vst.idx.msk $0xff, v62;
	v42, _, _ =	vpop (xrf2)  }
0x141: {  	v28 =	vadd.s32 s25, v44;
	[tilespmem:v16+s8+$0x0] =	vst.idx.msk $0xff, v55;
	v12 =	vbroadcast v42, $0xF;
	(erf) = vrcp.f32 v35  }
0x142: {  	s11 =	sadd.s32 $0x200, s11;
	v61 =	vand.u32 $0xFFFFFF80, v26;
	v10 =	vmul.f32 v10, v38;
	[tilespmem:s14+$0x0] =	vst v13;
	v13 =	vor.u32 v43, v28;
	v45, _, _ =	vpop (xrf2)  }
0x143: {  	s12 =	sshll.u32 s12, $0x7;
	[tilespmem:s11+$0xFFFFFF80] =	vst v24;
	v39 =	vadd.s32 s16, v61;
	(erf) = vrcp.f32 v12;
	v47 =	vbroadcast v45, $0xF  }
0x144: {  	s29 =	sadd.s32 $0x80, s12;
	v44 =	vand.u32 $0xFFFFFF80, v31;
	v50 =	vand.u32 $0x7F, v31;
	[tilespmem:v41+s8+$0x0] =	vst.idx.msk $0xff, v10;
	v49 =	vor.u32 v46, v39  }
0x145: {  	v48 =	vadd.s32 s29, v44;
	[tilespmem:s14+$0xFFFFFF00] =	vst v21;
	v6 =	vmul.f32 v6, v37;
	(erf) = vrcp.f32 v47  }
0x146: {  	s30 =	sadd.s32 $0x100, s12;
	v51 =	vand.u32 $0xFFFFFF80, v27;
	v9 =	vor.u32 v50, v48;
	[tilespmem:s11+$0x0] =	vst v22  }
0x147: {  	v8 =	vadd.s32 s30, v51;
	v52 =	vmul.f32 v11, v36;
	[tilespmem:v13+s8+$0x0] =	vst.idx.msk $0xff, v6;
	v6 =	vand.u32 $0x7F, v27  }
0x148: {  	s31 =	sadd.s32 $0x180, s12;
	v54 =	vand.u32 $0xFFFFFF80, v25;
	[tilespmem:s11+$0x80] =	vst v20;
	v6 =	vor.u32 v6, v8;
	v53 =	vpop (erf)  }
0x149: {  	v57 =	vand.u32 $0x7F, v25;
	v55 =	vadd.s32 s31, v54;
	[tilespmem:v49+s8+$0x0] =	vst.idx.msk $0xff, v52;
	v56 =	vmul.f32 v53, v18  }
0x14a: {  	v58 =	vand.u32 $0xFFFFFF80, v17;
	v8 =	vor.u32 v57, v55;
	[tilespmem:s11+$0xFFFFFF00] =	vst v26;
	v59 =	vpop (erf)  }
0x14b: {  	s11 =	sadd.s32 $0x200, s11;
	v60 =	vand.u32 $0x7F, v17;
	v12 =	vadd.s32 s12, v58;
	v61 =	vmul.f32 v59, v19;
	[tilespmem:v9+s8+$0x0] =	vst.idx.msk $0xff, v56  }
0x14c: {  	v62 =	vor.u32 v60, v12;
	v63 =	vpop (erf);
	[tilespmem:s11+$0xFFFFFF80] =	vst v31  }
0x14d: {  	[tilespmem:v6+s8+$0x0] =	vst.idx.msk $0xff, v61;
	v6 =	vmul.f32 v63, v7  }
0x14e: {  	[tilespmem:s11+$0x0] =	vst v27;
	v7 =	vpop (erf)  }
0x14f: {  	v7 =	vmul.f32 v7, v23;
	[tilespmem:v8+s8+$0x0] =	vst.idx.msk $0xff, v6  }
0x150: {  	[tilespmem:s11+$0x80] =	vst v25  }
0x151: {  	[tilespmem:v62+s8+$0x0] =	vst.idx.msk $0xff, v7  }
0x152: {  	[tilespmem:s11+$0xFFFFFF00] =	vst v17  }
0x153: {  	[hbm4b:s4+s2] =	stream.linear.scatter [tilespmem:s8], [sflag:$0x1], $0x8000, $0x38;
	[tilespmem:$0x18000] =	vst v63  }
0x154: {  	s10 =	sadd.s32 $0x1, s10;
	_ =	swait.ge [sflag:s7], $0x8000  }
0x155: {  	p0 =	sne.s32 s10, s6;
	[sflag:s7] =	ssyncset.done $0x0  }
.Ltmp1:
0x156: {  	[sflag:s7] =	ssyncadd.s32 $0xFFFF8000;
	(pc) =	sbr.rel @p0 .LBB2_1-.Ltmp1, $4  }
0x157: {  	[hbm4b:s5+s2] =	stream.linear.scatter [tilespmem:s9], [sflag:$0x1], $0x8000, $0x38;
	[tilespmem:$0x18000] =	vst v63  }
0x158: {  	_ =	swait.ge [sflag:s7], $0x8000  }
0x159: {  	[sflag:s7] =	ssyncset.done $0x0  }
0x15a: {  	[sflag:s7] =	ssyncadd.s32 $0xFFFF8000  }
0x15b: {  	_ =	sfence.sel $0x180000  }
0x15c: {  	[bflag:$0x0] =	sbarrier.arrive $0xFFFF  }
0x15d: {  	p0 =	sne.s32 s1, $0x0;
	_ =	strace $0x9000004A  }
0x15e: {  	s0 =	sadd.s32 @!p0 $0x100000, s0;
	[bflag:$0x2] =	sbarrier.arrive $0xFFFF  }
0x15f: {  	[sflag:s0] =	ssyncadd.tile.s32 @!p0 $0x1;
	_ =	shalt  }
.Lfunc_end2:
_tile_overlayer_lowered:
.L_overlay_start_2:
0x160: {  	(tag) =	ssettag $0x2  }
0x161: {  	s0 =	rddreg [dreg:$0x0];
	s2 =	stileid.u32  }
0x162: {  	s1 =	rddreg [dreg:$0x1];
	p0 =	sne.s32 s2, $0x0  }
0x163: {  	s3 =	rddreg [dreg:$0x2];
	[bflag:$0x3] =	sbarrier.arrive $0xFFFF;
	s2 =	simm.s32 @!p0 $0x1C01  }
0x164: {  	[timem:s3], [sflag:s2] =	dma.local @!p0 [hbm:s0], s1  }
0x165: {  	s0 =	simm.s32 @!p0 $0x1  }
0x166: {  	_ =	swait.ge @!p0 [sflag:s0], s1  }
0x167: {  	s1 =	ssub.s32 @!p0 $0x0, s1;
	[sflag:s0] =	ssyncset.done @!p0 $0x0  }
0x168: {  	[sflag:s0] =	ssyncadd.s32 @!p0 s1  }
0x169: {  	[bflag:$0x3] =	sbarrier.arrive $0xFFFF  }
0x16a: {  	_ =	shalt  }

</sc_bundles>
